<compile_context>
chip_gen: v7x
topology: tpu7x:2x2x1
jax: 0.10.2.dev20260603
libtpu: 0.0.44.dev20260713+nightly
codegen_flags: <defaults>
</compile_context>

<pallas_src>
import functools

import jax
import jax.numpy as jnp
from jax import lax
from jax.experimental import pallas as pl
from jax.experimental.pallas import tpu as pltpu
from jax.experimental.pallas import tpu_sc as plsc

_NUM_EMBED = 8192
_EMBED_DIM = 256
_BETA = 0.25
_TOKENS = 16384

_TM = 512
_NW = 32
_TOK_PER_W = _TOKENS // _NW
_CHUNK = 128
_NCHUNK = _TOK_PER_W // _CHUNK


def _normalize_body(w_ref, out_ref, wn_ref):
    w = w_ref[...]
    n = jnp.sqrt(jnp.sum(w * w, axis=1, keepdims=True))
    out_ref[...] = (w / jnp.maximum(n, 1e-12)).astype(jnp.bfloat16)
    wn_ref[...] = n


def _argmax_body(z_ref, nw_ref, idx_ref, sn_ref, a_ref, acc_ref):
    i = pl.program_id(0)
    zt = z_ref[...]
    ssum = jnp.sum(zt * zt, axis=1, keepdims=True)
    n = jnp.sqrt(ssum)
    zn = (zt / jnp.maximum(n, 1e-12)).astype(jnp.bfloat16)
    scores = lax.dot_general(
        zn, nw_ref[...], (((1,), (1,)), ((), ())),
        preferred_element_type=jnp.float32)
    val = scores[:, 0:128]
    tid = jnp.zeros(val.shape, jnp.float32)
    for t in range(1, _NUM_EMBED // 128):
        tile = scores[:, t * 128:(t + 1) * 128]
        cond = tile >= val
        val = jnp.maximum(val, tile)
        tid = jnp.where(cond, jnp.float32(t), tid)
    m = jnp.max(val, axis=1, keepdims=True)
    lane = lax.broadcasted_iota(jnp.int32, val.shape, 1).astype(jnp.float32)
    g = tid * jnp.float32(128.0) + lane
    best = jnp.max(jnp.where(val == m, g, jnp.float32(-1.0)), axis=1)
    idx_ref[0, 0, :] = best.astype(jnp.int32)
    sn_ref[0, 0, :] = jnp.squeeze(m * n, 1)
    at = jnp.sum(ssum)

    @pl.when(i == 0)
    def _():
        acc_ref[0] = at

    @pl.when(i > 0)
    def _():
        acc_ref[0] = acc_ref[0] + at

    @pl.when(i == pl.num_programs(0) - 1)
    def _():
        a_ref[...] = jnp.reshape(acc_ref[0], (1, 1))


def _sc_body(w_hbm, idx_hbm, sn_hbm,
             zq_hbm, cnt_hbm, wsum_hbm,
             idx_v, sn_v, rows_v, ones_v, zeros_v,
             cnt_sh, wsum_sh, sem, addsem):
    cid = lax.axis_index("c")
    sid = lax.axis_index("s")
    wid = cid * 16 + sid
    base = wid * _TOK_PER_W

    pltpu.sync_copy(idx_hbm.at[pl.ds(wid * _NCHUNK, _NCHUNK)], idx_v)
    pltpu.sync_copy(sn_hbm.at[pl.ds(wid * _NCHUNK, _NCHUNK)], sn_v)

    def _zero(k, c):
        zeros_v[pl.ds(k * 16, 16)] = jnp.zeros((16,), jnp.float32)
        return c
    lax.fori_loop(0, (_NUM_EMBED // 16) // 16, _zero, 0)
    sl = pl.ds(sid * (_NUM_EMBED // 16), _NUM_EMBED // 16)
    pltpu.sync_copy(zeros_v, cnt_sh.at[sl])
    pltpu.sync_copy(zeros_v, wsum_sh.at[sl])

    for k in range(_CHUNK // 16):
        ones_v[pl.ds(k * 16, 16)] = jnp.ones((16,), jnp.float32)

    plsc.subcore_barrier()

    adds = [pltpu.async_copy(ones_v, cnt_sh.at[idx_v.at[j]], addsem,
                             add=True)
            for j in range(_NCHUNK)]
    adds += [pltpu.async_copy(sn_v.at[j], wsum_sh.at[idx_v.at[j]], addsem,
                              add=True)
             for j in range(_NCHUNK)]

    for j in range(_NCHUNK):
        pltpu.async_copy(w_hbm.at[idx_v.at[j]], rows_v, sem).wait()
        pltpu.sync_copy(rows_v, zq_hbm.at[pl.ds(base + j * _CHUNK, _CHUNK)])

    for a in adds:
        a.wait()
    plsc.subcore_barrier()

    @pl.when(sid == 0)
    def _():
        pltpu.sync_copy(cnt_sh, cnt_hbm.at[cid])
        pltpu.sync_copy(wsum_sh, wsum_hbm.at[cid])


def _finalize_body(cnt_ref, wsum_ref, wn_ref, a_ref, loss_ref, ppx_ref):
    a = jnp.sum(a_ref[...])
    wn = wn_ref[...]
    wsum = wsum_ref[0:1, :] + wsum_ref[1:2, :]
    cntf = cnt_ref[0:1, :] + cnt_ref[1:2, :]
    bsum = jnp.sum(wsum * wn)
    csum = jnp.sum(cntf * wn * wn)
    mval = (a - 2.0 * bsum + csum) / jnp.float32(_TOKENS * _EMBED_DIM)
    loss_ref[...] = jnp.reshape(jnp.float32(_BETA) * mval + mval, (1, 1))
    p = cntf * jnp.float32(1.0 / _TOKENS)
    ent = jnp.sum(p * jnp.log(p + 1e-10))
    ppx_ref[...] = jnp.reshape(jnp.exp(-ent), (1, 1))


@functools.lru_cache(maxsize=1)
def _make_sc_gather_hist():
    return pl.kernel(
        _sc_body,
        out_type=(jax.ShapeDtypeStruct((_TOKENS, _EMBED_DIM), jnp.float32),
                  jax.ShapeDtypeStruct((2, _NUM_EMBED), jnp.float32),
                  jax.ShapeDtypeStruct((2, _NUM_EMBED), jnp.float32)),
        mesh=plsc.VectorSubcoreMesh(core_axis_name="c", subcore_axis_name="s",
                                    num_cores=2, num_subcores=16),
        scratch_types=[
            pltpu.VMEM((_NCHUNK, _CHUNK), jnp.int32),
            pltpu.VMEM((_NCHUNK, _CHUNK), jnp.float32),
            pltpu.VMEM((_CHUNK, _EMBED_DIM), jnp.float32),
            pltpu.VMEM((_CHUNK,), jnp.float32),
            pltpu.VMEM((_NUM_EMBED // 16,), jnp.float32),
            pltpu.VMEM_SHARED((_NUM_EMBED,), jnp.float32),
            pltpu.VMEM_SHARED((_NUM_EMBED,), jnp.float32),
            pltpu.SemaphoreType.DMA,
            pltpu.SemaphoreType.DMA,
        ],
    )


def kernel(z, weight):
    b, c, h, w = z.shape
    zp = jnp.transpose(z, (0, 2, 3, 1)).reshape(-1, _EMBED_DIM)

    normed, wncol = pl.pallas_call(
        _normalize_body,
        out_shape=[jax.ShapeDtypeStruct((_NUM_EMBED, _EMBED_DIM),
                                        jnp.bfloat16),
                   jax.ShapeDtypeStruct((_NUM_EMBED, 1), jnp.float32)],
    )(weight)

    n_tiles = _TOKENS // _TM
    idx3, sn3, asum = pl.pallas_call(
        _argmax_body,
        grid=(n_tiles,),
        in_specs=[
            pl.BlockSpec((_TM, _EMBED_DIM), lambda i: (i, 0)),
            pl.BlockSpec((_NUM_EMBED, _EMBED_DIM), lambda i: (0, 0)),
        ],
        out_specs=[
            pl.BlockSpec((1, 1, _TM), lambda i: (i, 0, 0)),
            pl.BlockSpec((1, 1, _TM), lambda i: (i, 0, 0)),
            pl.BlockSpec((1, 1), lambda i: (0, 0)),
        ],
        out_shape=[
            jax.ShapeDtypeStruct((n_tiles, 1, _TM), jnp.int32),
            jax.ShapeDtypeStruct((n_tiles, 1, _TM), jnp.float32),
            jax.ShapeDtypeStruct((1, 1), jnp.float32),
        ],
        scratch_shapes=[pltpu.SMEM((1,), jnp.float32)],
    )(zp, normed)
    idx = idx3.reshape(_TOKENS)

    zq, cnt, wsum = _make_sc_gather_hist()(
        weight, idx.reshape(128, 128), sn3.reshape(128, 128))

    loss, ppx = pl.pallas_call(
        _finalize_body,
        out_shape=[jax.ShapeDtypeStruct((1, 1), jnp.float32),
                   jax.ShapeDtypeStruct((1, 1), jnp.float32)],
    )(cnt, wsum, wncol.reshape(1, _NUM_EMBED), asum)

    z_q_out = zq.reshape(b, h, w, c).transpose(0, 3, 1, 2)
    return z_q_out, loss[0, 0], ppx[0, 0], idx

# --- scband reference (transcript-rebuilt; emitter-appended) ---
"""Pipeline reference for scband-vector-quantiser-30794915512876 (READ-ONLY COPY).

The authoritative reference and input builder live on the scoring server;
editing this copy changes nothing except your own understanding.
"""

import jax, jax.numpy as jnp
import numpy as np

NUM_EMBED = 8192
EMBED_DIM = 256
BETA = 0.25


def _normalize(x, axis=1, eps=1e-12):
    n = jnp.linalg.norm(x, axis=axis, keepdims=True)
    return x / jnp.maximum(n, eps)


def setup_inputs(seed: int = 0) -> dict:
    key = jax.random.key(seed)
    k1, k2 = jax.random.split(key)
    z = jax.random.normal(k1, (16, EMBED_DIM, 32, 32), dtype=jnp.float32)
    weight = jax.random.uniform(k2, (NUM_EMBED, EMBED_DIM), dtype=jnp.float32,
                                minval=-1.0 / NUM_EMBED, maxval=1.0 / NUM_EMBED)
    return {"z": z, "weight": weight}


def reference(z, weight):
    # z: [b, c, h, w] -> [b, h, w, c]
    zp = jnp.transpose(z, (0, 2, 3, 1))
    z_flattened = zp.reshape(-1, EMBED_DIM)
    # cosine distance
    normed_z = jax.lax.stop_gradient(_normalize(z_flattened, axis=1))
    normed_codebook = _normalize(weight, axis=1)
    d = jnp.einsum('bd,dn->bn', normed_z, normed_codebook.T)
    # sort along dim=1, take the last index (closest under cosine sim)
    indices = jnp.argsort(d, axis=1)
    encoding_indices = indices[:, -1]
    # one-hot encodings (torch scatter_ of ones)
    encodings = jax.nn.one_hot(encoding_indices, NUM_EMBED, dtype=zp.dtype)
    # quantized latents
    z_q = jnp.matmul(encodings, weight).reshape(zp.shape)
    # commitment + codebook loss
    loss = BETA * jnp.mean((jax.lax.stop_gradient(z_q) - zp) ** 2) \
           + jnp.mean((z_q - jax.lax.stop_gradient(zp)) ** 2)
    # straight-through estimator
    z_q_st = zp + jax.lax.stop_gradient(z_q - zp)
    z_q_out = jnp.transpose(z_q_st, (0, 3, 1, 2))
    # perplexity
    avg_probs = jnp.mean(encodings, axis=0)
    perplexity = jnp.exp(-jnp.sum(avg_probs * jnp.log(avg_probs + 1e-10)))
    return z_q_out, loss, perplexity, encoding_indices

if __name__ == "__main__":
    import jax
    _d = setup_inputs()
    print(jax.jit(kernel)(*tuple(_d.values())))

</pallas_src>

<mosaic_0001>
#map = affine_map<(d0, d1) -> (0, 0)>
module attributes {stable_mosaic.version = 14 : i64} {
  func.func @_sc_body(%arg0: i32, %arg1: i32, %arg2: memref<8192x256xf32, #tpu.memory_space<hbm>>, %arg3: memref<128x128xi32, #tpu.memory_space<hbm>>, %arg4: memref<128x128xf32, #tpu.memory_space<hbm>>, %arg5: memref<16384x256xf32, #tpu.memory_space<hbm>>, %arg6: memref<2x8192xf32, #tpu.memory_space<hbm>>, %arg7: memref<2x8192xf32, #tpu.memory_space<hbm>>, %arg8: memref<4x128xi32, #tpu.memory_space<vmem>>, %arg9: memref<4x128xf32, #tpu.memory_space<vmem>>, %arg10: memref<128x256xf32, #tpu.memory_space<vmem>>, %arg11: memref<128xf32, #tpu.memory_space<vmem>>, %arg12: memref<512xf32, #tpu.memory_space<vmem>>, %arg13: memref<8192xf32, #tpu.memory_space<vmem_shared>>, %arg14: memref<8192xf32, #tpu.memory_space<vmem_shared>>, %arg15: memref<!tpu.dma_semaphore, #tpu.memory_space<semaphore_mem>>, %arg16: memref<!tpu.dma_semaphore, #tpu.memory_space<semaphore_mem>>) attributes {dimension_semantics = [#tpu.dimension_semantics<core_parallel>, #tpu.dimension_semantics<subcore_parallel>], iteration_bounds = array<i64: 2, 16>, scalar_prefetch = 0 : i64, scratch_operands = 9 : i64, tpu.core_type = #tpu.core_type<sc_vector_subcore>, window_params = [{transform_indices = #map}, {transform_indices = #map}, {transform_indices = #map}, {transform_indices = #map}, {transform_indices = #map}, {transform_indices = #map}]} {
    %mul3A = arith.constant 16 : i32
    %mul3A_0 = arith.muli %arg0, %mul3A : i32
    %add3A = arith.addi %mul3A_0, %arg1 : i32
    %mul3A_1 = arith.constant 512 : i32
    %mul3A_2 = arith.muli %add3A, %mul3A_1 : i32
    %mul3A_3 = arith.constant 4 : i32
    %mul3A_4 = arith.muli %add3A, %mul3A_3 : i32
    "tpu.region"() ({
      %run_scoped3A = tpu.sem_alloc : memref<!tpu.dma_semaphore, #tpu.memory_space<semaphore_mem>>
      %dma_start3A_253 = arith.constant 0 : i32
      %dma_start3A_254 = tpu.memref_slice %arg3[%mul3A_4, %dma_start3A_253] : memref<128x128xi32, #tpu.memory_space<hbm>> -> memref<4x128xi32, #tpu.memory_space<hbm>>
      %dma_start3A_255 = arith.constant 0 : i32
      %dma_start3A_256 = tpu.memref_slice %arg3[%mul3A_4, %dma_start3A_255] : memref<128x128xi32, #tpu.memory_space<hbm>> -> memref<4x128xi32, #tpu.memory_space<hbm>>
      tpu.enqueue_dma source(%dma_start3A_256 : memref<4x128xi32, #tpu.memory_space<hbm>>) target(%arg8 : memref<4x128xi32, #tpu.memory_space<vmem>>) target_semaphore(%run_scoped3A : memref<!tpu.dma_semaphore, #tpu.memory_space<semaphore_mem>>)
      %dma_wait3A_257 = arith.constant 0 : i32
      %dma_wait3A_258 = tpu.memref_slice %arg3[%mul3A_4, %dma_wait3A_257] : memref<128x128xi32, #tpu.memory_space<hbm>> -> memref<4x128xi32, #tpu.memory_space<hbm>>
      %dma_wait3A_259 = arith.constant 0 : i32
      %dma_wait3A_260 = tpu.memref_slice %arg3[%mul3A_4, %dma_wait3A_259] : memref<128x128xi32, #tpu.memory_space<hbm>> -> memref<4x128xi32, #tpu.memory_space<hbm>>
      tpu.wait_dma2 semaphore(%run_scoped3A : memref<!tpu.dma_semaphore, #tpu.memory_space<semaphore_mem>>) src(%dma_wait3A_260 : memref<4x128xi32, #tpu.memory_space<hbm>>) dst(%arg8 : memref<4x128xi32, #tpu.memory_space<vmem>>)
      tpu.yield
    }) : () -> ()
    %mul3A_5 = arith.constant 4 : i32
    %mul3A_6 = arith.muli %add3A, %mul3A_5 : i32
    "tpu.region"() ({
      %run_scoped3A = tpu.sem_alloc : memref<!tpu.dma_semaphore, #tpu.memory_space<semaphore_mem>>
      %dma_start3A_253 = arith.constant 0 : i32
      %dma_start3A_254 = tpu.memref_slice %arg4[%mul3A_6, %dma_start3A_253] : memref<128x128xf32, #tpu.memory_space<hbm>> -> memref<4x128xf32, #tpu.memory_space<hbm>>
      %dma_start3A_255 = arith.constant 0 : i32
      %dma_start3A_256 = tpu.memref_slice %arg4[%mul3A_6, %dma_start3A_255] : memref<128x128xf32, #tpu.memory_space<hbm>> -> memref<4x128xf32, #tpu.memory_space<hbm>>
      tpu.enqueue_dma source(%dma_start3A_256 : memref<4x128xf32, #tpu.memory_space<hbm>>) target(%arg9 : memref<4x128xf32, #tpu.memory_space<vmem>>) target_semaphore(%run_scoped3A : memref<!tpu.dma_semaphore, #tpu.memory_space<semaphore_mem>>)
      %dma_wait3A_257 = arith.constant 0 : i32
      %dma_wait3A_258 = tpu.memref_slice %arg4[%mul3A_6, %dma_wait3A_257] : memref<128x128xf32, #tpu.memory_space<hbm>> -> memref<4x128xf32, #tpu.memory_space<hbm>>
      %dma_wait3A_259 = arith.constant 0 : i32
      %dma_wait3A_260 = tpu.memref_slice %arg4[%mul3A_6, %dma_wait3A_259] : memref<128x128xf32, #tpu.memory_space<hbm>> -> memref<4x128xf32, #tpu.memory_space<hbm>>
      tpu.wait_dma2 semaphore(%run_scoped3A : memref<!tpu.dma_semaphore, #tpu.memory_space<semaphore_mem>>) src(%dma_wait3A_260 : memref<4x128xf32, #tpu.memory_space<hbm>>) dst(%arg9 : memref<4x128xf32, #tpu.memory_space<vmem>>)
      tpu.yield
    }) : () -> ()
    %scan3A = arith.constant 0 : i32
    %scan3A_7 = arith.constant 0 : i32
    %scan3A_8 = arith.constant 32 : i32
    %scan3A_9 = arith.addi %scan3A_7, %scan3A_8 : i32
    %scan3A_10 = arith.constant 1 : i32
    scf.for %scan3A_253 = %scan3A_7 to %scan3A_9 step %scan3A_10  : i32 {
      %broadcast_in_dim3A_254 = arith.constant 0.000000e+00 : f32
      %broadcast_in_dim3A_255 = vector.broadcast %broadcast_in_dim3A_254 : f32 to vector<16xf32>
      %mul3A_256 = arith.constant 16 : i32
      %mul3A_257 = arith.muli %scan3A_253, %mul3A_256 : i32
      %swap3A_258 = arith.index_cast %mul3A_257 : i32 to index
      %swap3A_259 = tpu.vector_load %arg12[%swap3A_258] {strides = array<i32>} : memref<512xf32, #tpu.memory_space<vmem>>, vector<16xf32>,
      %swap3A_260 = vector.shape_cast %swap3A_259 : vector<16xf32> to vector<16xf32>
      %swap3A_261 = vector.shape_cast %broadcast_in_dim3A_255 : vector<16xf32> to vector<16xf32>
      tpu.vector_store %arg12[%swap3A_258], %swap3A_261 {strides = array<i32>} : memref<512xf32, #tpu.memory_space<vmem>>, vector<16xf32>,
    }
    %scan3A_11 = arith.constant 32 : i32
    %mul3A_12 = arith.constant 512 : i32
    %mul3A_13 = arith.muli %arg1, %mul3A_12 : i32
    "tpu.region"() ({
      %run_scoped3A = tpu.sem_alloc : memref<!tpu.dma_semaphore, #tpu.memory_space<semaphore_mem>>
      %dma_start3A_253 = tpu.memref_slice %arg13[%mul3A_13] : memref<8192xf32, #tpu.memory_space<vmem_shared>> -> memref<512xf32, #tpu.memory_space<vmem_shared>>
      %dma_start3A_254 = tpu.memref_slice %arg13[%mul3A_13] : memref<8192xf32, #tpu.memory_space<vmem_shared>> -> memref<512xf32, #tpu.memory_space<vmem_shared>>
      tpu.enqueue_dma source(%arg12 : memref<512xf32, #tpu.memory_space<vmem>>) target(%dma_start3A_254 : memref<512xf32, #tpu.memory_space<vmem_shared>>) target_semaphore(%run_scoped3A : memref<!tpu.dma_semaphore, #tpu.memory_space<semaphore_mem>>)
      %dma_wait3A_255 = tpu.memref_slice %arg13[%mul3A_13] : memref<8192xf32, #tpu.memory_space<vmem_shared>> -> memref<512xf32, #tpu.memory_space<vmem_shared>>
      %dma_wait3A_256 = tpu.memref_slice %arg13[%mul3A_13] : memref<8192xf32, #tpu.memory_space<vmem_shared>> -> memref<512xf32, #tpu.memory_space<vmem_shared>>
      tpu.wait_dma2 semaphore(%run_scoped3A : memref<!tpu.dma_semaphore, #tpu.memory_space<semaphore_mem>>) src(%arg12 : memref<512xf32, #tpu.memory_space<vmem>>) dst(%dma_wait3A_256 : memref<512xf32, #tpu.memory_space<vmem_shared>>)
      tpu.yield
    }) : () -> ()
    "tpu.region"() ({
      %run_scoped3A = tpu.sem_alloc : memref<!tpu.dma_semaphore, #tpu.memory_space<semaphore_mem>>
      %dma_start3A_253 = tpu.memref_slice %arg14[%mul3A_13] : memref<8192xf32, #tpu.memory_space<vmem_shared>> -> memref<512xf32, #tpu.memory_space<vmem_shared>>
      %dma_start3A_254 = tpu.memref_slice %arg14[%mul3A_13] : memref<8192xf32, #tpu.memory_space<vmem_shared>> -> memref<512xf32, #tpu.memory_space<vmem_shared>>
      tpu.enqueue_dma source(%arg12 : memref<512xf32, #tpu.memory_space<vmem>>) target(%dma_start3A_254 : memref<512xf32, #tpu.memory_space<vmem_shared>>) target_semaphore(%run_scoped3A : memref<!tpu.dma_semaphore, #tpu.memory_space<semaphore_mem>>)
      %dma_wait3A_255 = tpu.memref_slice %arg14[%mul3A_13] : memref<8192xf32, #tpu.memory_space<vmem_shared>> -> memref<512xf32, #tpu.memory_space<vmem_shared>>
      %dma_wait3A_256 = tpu.memref_slice %arg14[%mul3A_13] : memref<8192xf32, #tpu.memory_space<vmem_shared>> -> memref<512xf32, #tpu.memory_space<vmem_shared>>
      tpu.wait_dma2 semaphore(%run_scoped3A : memref<!tpu.dma_semaphore, #tpu.memory_space<semaphore_mem>>) src(%arg12 : memref<512xf32, #tpu.memory_space<vmem>>) dst(%dma_wait3A_256 : memref<512xf32, #tpu.memory_space<vmem_shared>>)
      tpu.yield
    }) : () -> ()
    %broadcast_in_dim3A = arith.constant 1.000000e+00 : f32
    %broadcast_in_dim3A_14 = vector.broadcast %broadcast_in_dim3A : f32 to vector<16xf32>
    %swap3A = arith.constant 0 : index
    %swap3A_15 = tpu.vector_load %arg11[%swap3A] {strides = array<i32>} : memref<128xf32, #tpu.memory_space<vmem>>, vector<16xf32>,
    %swap3A_16 = vector.shape_cast %swap3A_15 : vector<16xf32> to vector<16xf32>
    %swap3A_17 = vector.shape_cast %broadcast_in_dim3A_14 : vector<16xf32> to vector<16xf32>
    tpu.vector_store %arg11[%swap3A], %swap3A_17 {strides = array<i32>} : memref<128xf32, #tpu.memory_space<vmem>>, vector<16xf32>,
    %broadcast_in_dim3A_18 = arith.constant 1.000000e+00 : f32
    %broadcast_in_dim3A_19 = vector.broadcast %broadcast_in_dim3A_18 : f32 to vector<16xf32>
    %swap3A_20 = arith.constant 16 : index
    %swap3A_21 = tpu.vector_load %arg11[%swap3A_20] {strides = array<i32>} : memref<128xf32, #tpu.memory_space<vmem>>, vector<16xf32>,
    %swap3A_22 = vector.shape_cast %swap3A_21 : vector<16xf32> to vector<16xf32>
    %swap3A_23 = vector.shape_cast %broadcast_in_dim3A_19 : vector<16xf32> to vector<16xf32>
    tpu.vector_store %arg11[%swap3A_20], %swap3A_23 {strides = array<i32>} : memref<128xf32, #tpu.memory_space<vmem>>, vector<16xf32>,
    %broadcast_in_dim3A_24 = arith.constant 1.000000e+00 : f32
    %broadcast_in_dim3A_25 = vector.broadcast %broadcast_in_dim3A_24 : f32 to vector<16xf32>
    %swap3A_26 = arith.constant 32 : index
    %swap3A_27 = tpu.vector_load %arg11[%swap3A_26] {strides = array<i32>} : memref<128xf32, #tpu.memory_space<vmem>>, vector<16xf32>,
    %swap3A_28 = vector.shape_cast %swap3A_27 : vector<16xf32> to vector<16xf32>
    %swap3A_29 = vector.shape_cast %broadcast_in_dim3A_25 : vector<16xf32> to vector<16xf32>
    tpu.vector_store %arg11[%swap3A_26], %swap3A_29 {strides = array<i32>} : memref<128xf32, #tpu.memory_space<vmem>>, vector<16xf32>,
    %broadcast_in_dim3A_30 = arith.constant 1.000000e+00 : f32
    %broadcast_in_dim3A_31 = vector.broadcast %broadcast_in_dim3A_30 : f32 to vector<16xf32>
    %swap3A_32 = arith.constant 48 : index
    %swap3A_33 = tpu.vector_load %arg11[%swap3A_32] {strides = array<i32>} : memref<128xf32, #tpu.memory_space<vmem>>, vector<16xf32>,
    %swap3A_34 = vector.shape_cast %swap3A_33 : vector<16xf32> to vector<16xf32>
    %swap3A_35 = vector.shape_cast %broadcast_in_dim3A_31 : vector<16xf32> to vector<16xf32>
    tpu.vector_store %arg11[%swap3A_32], %swap3A_35 {strides = array<i32>} : memref<128xf32, #tpu.memory_space<vmem>>, vector<16xf32>,
    %broadcast_in_dim3A_36 = arith.constant 1.000000e+00 : f32
    %broadcast_in_dim3A_37 = vector.broadcast %broadcast_in_dim3A_36 : f32 to vector<16xf32>
    %swap3A_38 = arith.constant 64 : index
    %swap3A_39 = tpu.vector_load %arg11[%swap3A_38] {strides = array<i32>} : memref<128xf32, #tpu.memory_space<vmem>>, vector<16xf32>,
    %swap3A_40 = vector.shape_cast %swap3A_39 : vector<16xf32> to vector<16xf32>
    %swap3A_41 = vector.shape_cast %broadcast_in_dim3A_37 : vector<16xf32> to vector<16xf32>
    tpu.vector_store %arg11[%swap3A_38], %swap3A_41 {strides = array<i32>} : memref<128xf32, #tpu.memory_space<vmem>>, vector<16xf32>,
    %broadcast_in_dim3A_42 = arith.constant 1.000000e+00 : f32
    %broadcast_in_dim3A_43 = vector.broadcast %broadcast_in_dim3A_42 : f32 to vector<16xf32>
    %swap3A_44 = arith.constant 80 : index
    %swap3A_45 = tpu.vector_load %arg11[%swap3A_44] {strides = array<i32>} : memref<128xf32, #tpu.memory_space<vmem>>, vector<16xf32>,
    %swap3A_46 = vector.shape_cast %swap3A_45 : vector<16xf32> to vector<16xf32>
    %swap3A_47 = vector.shape_cast %broadcast_in_dim3A_43 : vector<16xf32> to vector<16xf32>
    tpu.vector_store %arg11[%swap3A_44], %swap3A_47 {strides = array<i32>} : memref<128xf32, #tpu.memory_space<vmem>>, vector<16xf32>,
    %broadcast_in_dim3A_48 = arith.constant 1.000000e+00 : f32
    %broadcast_in_dim3A_49 = vector.broadcast %broadcast_in_dim3A_48 : f32 to vector<16xf32>
    %swap3A_50 = arith.constant 96 : index
    %swap3A_51 = tpu.vector_load %arg11[%swap3A_50] {strides = array<i32>} : memref<128xf32, #tpu.memory_space<vmem>>, vector<16xf32>,
    %swap3A_52 = vector.shape_cast %swap3A_51 : vector<16xf32> to vector<16xf32>
    %swap3A_53 = vector.shape_cast %broadcast_in_dim3A_49 : vector<16xf32> to vector<16xf32>
    tpu.vector_store %arg11[%swap3A_50], %swap3A_53 {strides = array<i32>} : memref<128xf32, #tpu.memory_space<vmem>>, vector<16xf32>,
    %broadcast_in_dim3A_54 = arith.constant 1.000000e+00 : f32
    %broadcast_in_dim3A_55 = vector.broadcast %broadcast_in_dim3A_54 : f32 to vector<16xf32>
    %swap3A_56 = arith.constant 112 : index
    %swap3A_57 = tpu.vector_load %arg11[%swap3A_56] {strides = array<i32>} : memref<128xf32, #tpu.memory_space<vmem>>, vector<16xf32>,
    %swap3A_58 = vector.shape_cast %swap3A_57 : vector<16xf32> to vector<16xf32>
    %swap3A_59 = vector.shape_cast %broadcast_in_dim3A_55 : vector<16xf32> to vector<16xf32>
    tpu.vector_store %arg11[%swap3A_56], %swap3A_59 {strides = array<i32>} : memref<128xf32, #tpu.memory_space<vmem>>, vector<16xf32>,
    %barrier3A = arith.constant 0 : index
    tpu.barrier barrier_id(%barrier3A)
    %dma_start3A = arith.constant 0 : i32
    %dma_start3A_60 = arith.constant 0 : i32
    %dma_start3A_61 = tpu.memref_slice %arg8[%dma_start3A, %dma_start3A_60] : memref<4x128xi32, #tpu.memory_space<vmem>> -> memref<1x128xi32, #tpu.memory_space<vmem>>
    %dma_start3A_62 = tpu.memref_squeeze %dma_start3A_61 : memref<1x128xi32, #tpu.memory_space<vmem>> -> memref<128xi32, #tpu.memory_space<vmem>>
    %dma_start3A_63 = arith.constant 0 : i32
    %dma_start3A_64 = tpu.memref_slice %arg13[%dma_start3A_63] : memref<8192xf32, #tpu.memory_space<vmem_shared>> -> memref<8192xf32, #tpu.memory_space<vmem_shared>>
    tpu.enqueue_indirect_dma source(%arg11 : memref<128xf32, #tpu.memory_space<vmem>>) target(%dma_start3A_64 : memref<8192xf32, #tpu.memory_space<vmem_shared>>) offsets(%dma_start3A_62 : memref<128xi32, #tpu.memory_space<vmem>>) semaphore(%arg16 : memref<!tpu.dma_semaphore, #tpu.memory_space<semaphore_mem>>) {add = true}
    %dma_start3A_65 = arith.constant 1 : i32
    %dma_start3A_66 = arith.constant 0 : i32
    %dma_start3A_67 = tpu.memref_slice %arg8[%dma_start3A_65, %dma_start3A_66] : memref<4x128xi32, #tpu.memory_space<vmem>> -> memref<1x128xi32, #tpu.memory_space<vmem>>
    %dma_start3A_68 = tpu.memref_squeeze %dma_start3A_67 : memref<1x128xi32, #tpu.memory_space<vmem>> -> memref<128xi32, #tpu.memory_space<vmem>>
    %dma_start3A_69 = arith.constant 0 : i32
    %dma_start3A_70 = tpu.memref_slice %arg13[%dma_start3A_69] : memref<8192xf32, #tpu.memory_space<vmem_shared>> -> memref<8192xf32, #tpu.memory_space<vmem_shared>>
    tpu.enqueue_indirect_dma source(%arg11 : memref<128xf32, #tpu.memory_space<vmem>>) target(%dma_start3A_70 : memref<8192xf32, #tpu.memory_space<vmem_shared>>) offsets(%dma_start3A_68 : memref<128xi32, #tpu.memory_space<vmem>>) semaphore(%arg16 : memref<!tpu.dma_semaphore, #tpu.memory_space<semaphore_mem>>) {add = true}
    %dma_start3A_71 = arith.constant 2 : i32
    %dma_start3A_72 = arith.constant 0 : i32
    %dma_start3A_73 = tpu.memref_slice %arg8[%dma_start3A_71, %dma_start3A_72] : memref<4x128xi32, #tpu.memory_space<vmem>> -> memref<1x128xi32, #tpu.memory_space<vmem>>
    %dma_start3A_74 = tpu.memref_squeeze %dma_start3A_73 : memref<1x128xi32, #tpu.memory_space<vmem>> -> memref<128xi32, #tpu.memory_space<vmem>>
    %dma_start3A_75 = arith.constant 0 : i32
    %dma_start3A_76 = tpu.memref_slice %arg13[%dma_start3A_75] : memref<8192xf32, #tpu.memory_space<vmem_shared>> -> memref<8192xf32, #tpu.memory_space<vmem_shared>>
    tpu.enqueue_indirect_dma source(%arg11 : memref<128xf32, #tpu.memory_space<vmem>>) target(%dma_start3A_76 : memref<8192xf32, #tpu.memory_space<vmem_shared>>) offsets(%dma_start3A_74 : memref<128xi32, #tpu.memory_space<vmem>>) semaphore(%arg16 : memref<!tpu.dma_semaphore, #tpu.memory_space<semaphore_mem>>) {add = true}
    %dma_start3A_77 = arith.constant 3 : i32
    %dma_start3A_78 = arith.constant 0 : i32
    %dma_start3A_79 = tpu.memref_slice %arg8[%dma_start3A_77, %dma_start3A_78] : memref<4x128xi32, #tpu.memory_space<vmem>> -> memref<1x128xi32, #tpu.memory_space<vmem>>
    %dma_start3A_80 = tpu.memref_squeeze %dma_start3A_79 : memref<1x128xi32, #tpu.memory_space<vmem>> -> memref<128xi32, #tpu.memory_space<vmem>>
    %dma_start3A_81 = arith.constant 0 : i32
    %dma_start3A_82 = tpu.memref_slice %arg13[%dma_start3A_81] : memref<8192xf32, #tpu.memory_space<vmem_shared>> -> memref<8192xf32, #tpu.memory_space<vmem_shared>>
    tpu.enqueue_indirect_dma source(%arg11 : memref<128xf32, #tpu.memory_space<vmem>>) target(%dma_start3A_82 : memref<8192xf32, #tpu.memory_space<vmem_shared>>) offsets(%dma_start3A_80 : memref<128xi32, #tpu.memory_space<vmem>>) semaphore(%arg16 : memref<!tpu.dma_semaphore, #tpu.memory_space<semaphore_mem>>) {add = true}
    %dma_start3A_83 = arith.constant 0 : i32
    %dma_start3A_84 = arith.constant 0 : i32
    %dma_start3A_85 = arith.constant 0 : i32
    %dma_start3A_86 = tpu.memref_slice %arg9[%dma_start3A_83, %dma_start3A_85] : memref<4x128xf32, #tpu.memory_space<vmem>> -> memref<1x128xf32, #tpu.memory_space<vmem>>
    %dma_start3A_87 = tpu.memref_squeeze %dma_start3A_86 : memref<1x128xf32, #tpu.memory_space<vmem>> -> memref<128xf32, #tpu.memory_space<vmem>>
    %dma_start3A_88 = arith.constant 0 : i32
    %dma_start3A_89 = tpu.memref_slice %arg8[%dma_start3A_84, %dma_start3A_88] : memref<4x128xi32, #tpu.memory_space<vmem>> -> memref<1x128xi32, #tpu.memory_space<vmem>>
    %dma_start3A_90 = tpu.memref_squeeze %dma_start3A_89 : memref<1x128xi32, #tpu.memory_space<vmem>> -> memref<128xi32, #tpu.memory_space<vmem>>
    %dma_start3A_91 = arith.constant 0 : i32
    %dma_start3A_92 = tpu.memref_slice %arg14[%dma_start3A_91] : memref<8192xf32, #tpu.memory_space<vmem_shared>> -> memref<8192xf32, #tpu.memory_space<vmem_shared>>
    tpu.enqueue_indirect_dma source(%dma_start3A_87 : memref<128xf32, #tpu.memory_space<vmem>>) target(%dma_start3A_92 : memref<8192xf32, #tpu.memory_space<vmem_shared>>) offsets(%dma_start3A_90 : memref<128xi32, #tpu.memory_space<vmem>>) semaphore(%arg16 : memref<!tpu.dma_semaphore, #tpu.memory_space<semaphore_mem>>) {add = true}
    %dma_start3A_93 = arith.constant 1 : i32
    %dma_start3A_94 = arith.constant 1 : i32
    %dma_start3A_95 = arith.constant 0 : i32
    %dma_start3A_96 = tpu.memref_slice %arg9[%dma_start3A_93, %dma_start3A_95] : memref<4x128xf32, #tpu.memory_space<vmem>> -> memref<1x128xf32, #tpu.memory_space<vmem>>
    %dma_start3A_97 = tpu.memref_squeeze %dma_start3A_96 : memref<1x128xf32, #tpu.memory_space<vmem>> -> memref<128xf32, #tpu.memory_space<vmem>>
    %dma_start3A_98 = arith.constant 0 : i32
    %dma_start3A_99 = tpu.memref_slice %arg8[%dma_start3A_94, %dma_start3A_98] : memref<4x128xi32, #tpu.memory_space<vmem>> -> memref<1x128xi32, #tpu.memory_space<vmem>>
    %dma_start3A_100 = tpu.memref_squeeze %dma_start3A_99 : memref<1x128xi32, #tpu.memory_space<vmem>> -> memref<128xi32, #tpu.memory_space<vmem>>
    %dma_start3A_101 = arith.constant 0 : i32
    %dma_start3A_102 = tpu.memref_slice %arg14[%dma_start3A_101] : memref<8192xf32, #tpu.memory_space<vmem_shared>> -> memref<8192xf32, #tpu.memory_space<vmem_shared>>
    tpu.enqueue_indirect_dma source(%dma_start3A_97 : memref<128xf32, #tpu.memory_space<vmem>>) target(%dma_start3A_102 : memref<8192xf32, #tpu.memory_space<vmem_shared>>) offsets(%dma_start3A_100 : memref<128xi32, #tpu.memory_space<vmem>>) semaphore(%arg16 : memref<!tpu.dma_semaphore, #tpu.memory_space<semaphore_mem>>) {add = true}
    %dma_start3A_103 = arith.constant 2 : i32
    %dma_start3A_104 = arith.constant 2 : i32
    %dma_start3A_105 = arith.constant 0 : i32
    %dma_start3A_106 = tpu.memref_slice %arg9[%dma_start3A_103, %dma_start3A_105] : memref<4x128xf32, #tpu.memory_space<vmem>> -> memref<1x128xf32, #tpu.memory_space<vmem>>
    %dma_start3A_107 = tpu.memref_squeeze %dma_start3A_106 : memref<1x128xf32, #tpu.memory_space<vmem>> -> memref<128xf32, #tpu.memory_space<vmem>>
    %dma_start3A_108 = arith.constant 0 : i32
    %dma_start3A_109 = tpu.memref_slice %arg8[%dma_start3A_104, %dma_start3A_108] : memref<4x128xi32, #tpu.memory_space<vmem>> -> memref<1x128xi32, #tpu.memory_space<vmem>>
    %dma_start3A_110 = tpu.memref_squeeze %dma_start3A_109 : memref<1x128xi32, #tpu.memory_space<vmem>> -> memref<128xi32, #tpu.memory_space<vmem>>
    %dma_start3A_111 = arith.constant 0 : i32
    %dma_start3A_112 = tpu.memref_slice %arg14[%dma_start3A_111] : memref<8192xf32, #tpu.memory_space<vmem_shared>> -> memref<8192xf32, #tpu.memory_space<vmem_shared>>
    tpu.enqueue_indirect_dma source(%dma_start3A_107 : memref<128xf32, #tpu.memory_space<vmem>>) target(%dma_start3A_112 : memref<8192xf32, #tpu.memory_space<vmem_shared>>) offsets(%dma_start3A_110 : memref<128xi32, #tpu.memory_space<vmem>>) semaphore(%arg16 : memref<!tpu.dma_semaphore, #tpu.memory_space<semaphore_mem>>) {add = true}
    %dma_start3A_113 = arith.constant 3 : i32
    %dma_start3A_114 = arith.constant 3 : i32
    %dma_start3A_115 = arith.constant 0 : i32
    %dma_start3A_116 = tpu.memref_slice %arg9[%dma_start3A_113, %dma_start3A_115] : memref<4x128xf32, #tpu.memory_space<vmem>> -> memref<1x128xf32, #tpu.memory_space<vmem>>
    %dma_start3A_117 = tpu.memref_squeeze %dma_start3A_116 : memref<1x128xf32, #tpu.memory_space<vmem>> -> memref<128xf32, #tpu.memory_space<vmem>>
    %dma_start3A_118 = arith.constant 0 : i32
    %dma_start3A_119 = tpu.memref_slice %arg8[%dma_start3A_114, %dma_start3A_118] : memref<4x128xi32, #tpu.memory_space<vmem>> -> memref<1x128xi32, #tpu.memory_space<vmem>>
    %dma_start3A_120 = tpu.memref_squeeze %dma_start3A_119 : memref<1x128xi32, #tpu.memory_space<vmem>> -> memref<128xi32, #tpu.memory_space<vmem>>
    %dma_start3A_121 = arith.constant 0 : i32
    %dma_start3A_122 = tpu.memref_slice %arg14[%dma_start3A_121] : memref<8192xf32, #tpu.memory_space<vmem_shared>> -> memref<8192xf32, #tpu.memory_space<vmem_shared>>
    tpu.enqueue_indirect_dma source(%dma_start3A_117 : memref<128xf32, #tpu.memory_space<vmem>>) target(%dma_start3A_122 : memref<8192xf32, #tpu.memory_space<vmem_shared>>) offsets(%dma_start3A_120 : memref<128xi32, #tpu.memory_space<vmem>>) semaphore(%arg16 : memref<!tpu.dma_semaphore, #tpu.memory_space<semaphore_mem>>) {add = true}
    %dma_start3A_123 = arith.constant 0 : i32
    %dma_start3A_124 = arith.constant 0 : i32
    %dma_start3A_125 = tpu.memref_slice %arg8[%dma_start3A_123, %dma_start3A_124] : memref<4x128xi32, #tpu.memory_space<vmem>> -> memref<1x128xi32, #tpu.memory_space<vmem>>
    %dma_start3A_126 = tpu.memref_squeeze %dma_start3A_125 : memref<1x128xi32, #tpu.memory_space<vmem>> -> memref<128xi32, #tpu.memory_space<vmem>>
    %dma_start3A_127 = arith.constant 0 : i32
    %dma_start3A_128 = arith.constant 0 : i32
    %dma_start3A_129 = tpu.memref_slice %arg2[%dma_start3A_127, %dma_start3A_128] : memref<8192x256xf32, #tpu.memory_space<hbm>> -> memref<8192x256xf32, #tpu.memory_space<hbm>>
    tpu.enqueue_indirect_dma source(%dma_start3A_129 : memref<8192x256xf32, #tpu.memory_space<hbm>>) target(%arg10 : memref<128x256xf32, #tpu.memory_space<vmem>>) offsets(%dma_start3A_126 : memref<128xi32, #tpu.memory_space<vmem>>) semaphore(%arg15 : memref<!tpu.dma_semaphore, #tpu.memory_space<semaphore_mem>>)
    %dma_wait3A = arith.constant 0 : i32
    %dma_wait3A_130 = arith.constant 0 : i32
    %dma_wait3A_131 = tpu.memref_slice %arg8[%dma_wait3A, %dma_wait3A_130] : memref<4x128xi32, #tpu.memory_space<vmem>> -> memref<1x128xi32, #tpu.memory_space<vmem>>
    %dma_wait3A_132 = tpu.memref_squeeze %dma_wait3A_131 : memref<1x128xi32, #tpu.memory_space<vmem>> -> memref<128xi32, #tpu.memory_space<vmem>>
    %dma_wait3A_133 = arith.constant 0 : i32
    %dma_wait3A_134 = arith.constant 0 : i32
    %dma_wait3A_135 = tpu.memref_slice %arg2[%dma_wait3A_133, %dma_wait3A_134] : memref<8192x256xf32, #tpu.memory_space<hbm>> -> memref<8192x256xf32, #tpu.memory_space<hbm>>
    tpu.wait_indirect_dma semaphore(%arg15 : memref<!tpu.dma_semaphore, #tpu.memory_space<semaphore_mem>>) src(%dma_wait3A_135 : memref<8192x256xf32, #tpu.memory_space<hbm>>) dst(%arg10 : memref<128x256xf32, #tpu.memory_space<vmem>>)
    %add3A_136 = arith.constant 0 : i32
    %add3A_137 = arith.addi %mul3A_2, %add3A_136 : i32
    "tpu.region"() ({
      %run_scoped3A = tpu.sem_alloc : memref<!tpu.dma_semaphore, #tpu.memory_space<semaphore_mem>>
      %dma_start3A_253 = arith.constant 0 : i32
      %dma_start3A_254 = tpu.memref_slice %arg5[%add3A_137, %dma_start3A_253] : memref<16384x256xf32, #tpu.memory_space<hbm>> -> memref<128x256xf32, #tpu.memory_space<hbm>>
      %dma_start3A_255 = arith.constant 0 : i32
      %dma_start3A_256 = tpu.memref_slice %arg5[%add3A_137, %dma_start3A_255] : memref<16384x256xf32, #tpu.memory_space<hbm>> -> memref<128x256xf32, #tpu.memory_space<hbm>>
      tpu.enqueue_dma source(%arg10 : memref<128x256xf32, #tpu.memory_space<vmem>>) target(%dma_start3A_256 : memref<128x256xf32, #tpu.memory_space<hbm>>) target_semaphore(%run_scoped3A : memref<!tpu.dma_semaphore, #tpu.memory_space<semaphore_mem>>)
      %dma_wait3A_257 = arith.constant 0 : i32
      %dma_wait3A_258 = tpu.memref_slice %arg5[%add3A_137, %dma_wait3A_257] : memref<16384x256xf32, #tpu.memory_space<hbm>> -> memref<128x256xf32, #tpu.memory_space<hbm>>
      %dma_wait3A_259 = arith.constant 0 : i32
      %dma_wait3A_260 = tpu.memref_slice %arg5[%add3A_137, %dma_wait3A_259] : memref<16384x256xf32, #tpu.memory_space<hbm>> -> memref<128x256xf32, #tpu.memory_space<hbm>>
      tpu.wait_dma2 semaphore(%run_scoped3A : memref<!tpu.dma_semaphore, #tpu.memory_space<semaphore_mem>>) src(%arg10 : memref<128x256xf32, #tpu.memory_space<vmem>>) dst(%dma_wait3A_260 : memref<128x256xf32, #tpu.memory_space<hbm>>)
      tpu.yield
    }) : () -> ()
    %dma_start3A_138 = arith.constant 1 : i32
    %dma_start3A_139 = arith.constant 0 : i32
    %dma_start3A_140 = tpu.memref_slice %arg8[%dma_start3A_138, %dma_start3A_139] : memref<4x128xi32, #tpu.memory_space<vmem>> -> memref<1x128xi32, #tpu.memory_space<vmem>>
    %dma_start3A_141 = tpu.memref_squeeze %dma_start3A_140 : memref<1x128xi32, #tpu.memory_space<vmem>> -> memref<128xi32, #tpu.memory_space<vmem>>
    %dma_start3A_142 = arith.constant 0 : i32
    %dma_start3A_143 = arith.constant 0 : i32
    %dma_start3A_144 = tpu.memref_slice %arg2[%dma_start3A_142, %dma_start3A_143] : memref<8192x256xf32, #tpu.memory_space<hbm>> -> memref<8192x256xf32, #tpu.memory_space<hbm>>
    tpu.enqueue_indirect_dma source(%dma_start3A_144 : memref<8192x256xf32, #tpu.memory_space<hbm>>) target(%arg10 : memref<128x256xf32, #tpu.memory_space<vmem>>) offsets(%dma_start3A_141 : memref<128xi32, #tpu.memory_space<vmem>>) semaphore(%arg15 : memref<!tpu.dma_semaphore, #tpu.memory_space<semaphore_mem>>)
    %dma_wait3A_145 = arith.constant 1 : i32
    %dma_wait3A_146 = arith.constant 0 : i32
    %dma_wait3A_147 = tpu.memref_slice %arg8[%dma_wait3A_145, %dma_wait3A_146] : memref<4x128xi32, #tpu.memory_space<vmem>> -> memref<1x128xi32, #tpu.memory_space<vmem>>
    %dma_wait3A_148 = tpu.memref_squeeze %dma_wait3A_147 : memref<1x128xi32, #tpu.memory_space<vmem>> -> memref<128xi32, #tpu.memory_space<vmem>>
    %dma_wait3A_149 = arith.constant 0 : i32
    %dma_wait3A_150 = arith.constant 0 : i32
    %dma_wait3A_151 = tpu.memref_slice %arg2[%dma_wait3A_149, %dma_wait3A_150] : memref<8192x256xf32, #tpu.memory_space<hbm>> -> memref<8192x256xf32, #tpu.memory_space<hbm>>
    tpu.wait_indirect_dma semaphore(%arg15 : memref<!tpu.dma_semaphore, #tpu.memory_space<semaphore_mem>>) src(%dma_wait3A_151 : memref<8192x256xf32, #tpu.memory_space<hbm>>) dst(%arg10 : memref<128x256xf32, #tpu.memory_space<vmem>>)
    %add3A_152 = arith.constant 128 : i32
    %add3A_153 = arith.addi %mul3A_2, %add3A_152 : i32
    "tpu.region"() ({
      %run_scoped3A = tpu.sem_alloc : memref<!tpu.dma_semaphore, #tpu.memory_space<semaphore_mem>>
      %dma_start3A_253 = arith.constant 0 : i32
      %dma_start3A_254 = tpu.memref_slice %arg5[%add3A_153, %dma_start3A_253] : memref<16384x256xf32, #tpu.memory_space<hbm>> -> memref<128x256xf32, #tpu.memory_space<hbm>>
      %dma_start3A_255 = arith.constant 0 : i32
      %dma_start3A_256 = tpu.memref_slice %arg5[%add3A_153, %dma_start3A_255] : memref<16384x256xf32, #tpu.memory_space<hbm>> -> memref<128x256xf32, #tpu.memory_space<hbm>>
      tpu.enqueue_dma source(%arg10 : memref<128x256xf32, #tpu.memory_space<vmem>>) target(%dma_start3A_256 : memref<128x256xf32, #tpu.memory_space<hbm>>) target_semaphore(%run_scoped3A : memref<!tpu.dma_semaphore, #tpu.memory_space<semaphore_mem>>)
      %dma_wait3A_257 = arith.constant 0 : i32
      %dma_wait3A_258 = tpu.memref_slice %arg5[%add3A_153, %dma_wait3A_257] : memref<16384x256xf32, #tpu.memory_space<hbm>> -> memref<128x256xf32, #tpu.memory_space<hbm>>
      %dma_wait3A_259 = arith.constant 0 : i32
      %dma_wait3A_260 = tpu.memref_slice %arg5[%add3A_153, %dma_wait3A_259] : memref<16384x256xf32, #tpu.memory_space<hbm>> -> memref<128x256xf32, #tpu.memory_space<hbm>>
      tpu.wait_dma2 semaphore(%run_scoped3A : memref<!tpu.dma_semaphore, #tpu.memory_space<semaphore_mem>>) src(%arg10 : memref<128x256xf32, #tpu.memory_space<vmem>>) dst(%dma_wait3A_260 : memref<128x256xf32, #tpu.memory_space<hbm>>)
      tpu.yield
    }) : () -> ()
    %dma_start3A_154 = arith.constant 2 : i32
    %dma_start3A_155 = arith.constant 0 : i32
    %dma_start3A_156 = tpu.memref_slice %arg8[%dma_start3A_154, %dma_start3A_155] : memref<4x128xi32, #tpu.memory_space<vmem>> -> memref<1x128xi32, #tpu.memory_space<vmem>>
    %dma_start3A_157 = tpu.memref_squeeze %dma_start3A_156 : memref<1x128xi32, #tpu.memory_space<vmem>> -> memref<128xi32, #tpu.memory_space<vmem>>
    %dma_start3A_158 = arith.constant 0 : i32
    %dma_start3A_159 = arith.constant 0 : i32
    %dma_start3A_160 = tpu.memref_slice %arg2[%dma_start3A_158, %dma_start3A_159] : memref<8192x256xf32, #tpu.memory_space<hbm>> -> memref<8192x256xf32, #tpu.memory_space<hbm>>
    tpu.enqueue_indirect_dma source(%dma_start3A_160 : memref<8192x256xf32, #tpu.memory_space<hbm>>) target(%arg10 : memref<128x256xf32, #tpu.memory_space<vmem>>) offsets(%dma_start3A_157 : memref<128xi32, #tpu.memory_space<vmem>>) semaphore(%arg15 : memref<!tpu.dma_semaphore, #tpu.memory_space<semaphore_mem>>)
    %dma_wait3A_161 = arith.constant 2 : i32
    %dma_wait3A_162 = arith.constant 0 : i32
    %dma_wait3A_163 = tpu.memref_slice %arg8[%dma_wait3A_161, %dma_wait3A_162] : memref<4x128xi32, #tpu.memory_space<vmem>> -> memref<1x128xi32, #tpu.memory_space<vmem>>
    %dma_wait3A_164 = tpu.memref_squeeze %dma_wait3A_163 : memref<1x128xi32, #tpu.memory_space<vmem>> -> memref<128xi32, #tpu.memory_space<vmem>>
    %dma_wait3A_165 = arith.constant 0 : i32
    %dma_wait3A_166 = arith.constant 0 : i32
    %dma_wait3A_167 = tpu.memref_slice %arg2[%dma_wait3A_165, %dma_wait3A_166] : memref<8192x256xf32, #tpu.memory_space<hbm>> -> memref<8192x256xf32, #tpu.memory_space<hbm>>
    tpu.wait_indirect_dma semaphore(%arg15 : memref<!tpu.dma_semaphore, #tpu.memory_space<semaphore_mem>>) src(%dma_wait3A_167 : memref<8192x256xf32, #tpu.memory_space<hbm>>) dst(%arg10 : memref<128x256xf32, #tpu.memory_space<vmem>>)
    %add3A_168 = arith.constant 256 : i32
    %add3A_169 = arith.addi %mul3A_2, %add3A_168 : i32
    "tpu.region"() ({
      %run_scoped3A = tpu.sem_alloc : memref<!tpu.dma_semaphore, #tpu.memory_space<semaphore_mem>>
      %dma_start3A_253 = arith.constant 0 : i32
      %dma_start3A_254 = tpu.memref_slice %arg5[%add3A_169, %dma_start3A_253] : memref<16384x256xf32, #tpu.memory_space<hbm>> -> memref<128x256xf32, #tpu.memory_space<hbm>>
      %dma_start3A_255 = arith.constant 0 : i32
      %dma_start3A_256 = tpu.memref_slice %arg5[%add3A_169, %dma_start3A_255] : memref<16384x256xf32, #tpu.memory_space<hbm>> -> memref<128x256xf32, #tpu.memory_space<hbm>>
      tpu.enqueue_dma source(%arg10 : memref<128x256xf32, #tpu.memory_space<vmem>>) target(%dma_start3A_256 : memref<128x256xf32, #tpu.memory_space<hbm>>) target_semaphore(%run_scoped3A : memref<!tpu.dma_semaphore, #tpu.memory_space<semaphore_mem>>)
      %dma_wait3A_257 = arith.constant 0 : i32
      %dma_wait3A_258 = tpu.memref_slice %arg5[%add3A_169, %dma_wait3A_257] : memref<16384x256xf32, #tpu.memory_space<hbm>> -> memref<128x256xf32, #tpu.memory_space<hbm>>
      %dma_wait3A_259 = arith.constant 0 : i32
      %dma_wait3A_260 = tpu.memref_slice %arg5[%add3A_169, %dma_wait3A_259] : memref<16384x256xf32, #tpu.memory_space<hbm>> -> memref<128x256xf32, #tpu.memory_space<hbm>>
      tpu.wait_dma2 semaphore(%run_scoped3A : memref<!tpu.dma_semaphore, #tpu.memory_space<semaphore_mem>>) src(%arg10 : memref<128x256xf32, #tpu.memory_space<vmem>>) dst(%dma_wait3A_260 : memref<128x256xf32, #tpu.memory_space<hbm>>)
      tpu.yield
    }) : () -> ()
    %dma_start3A_170 = arith.constant 3 : i32
    %dma_start3A_171 = arith.constant 0 : i32
    %dma_start3A_172 = tpu.memref_slice %arg8[%dma_start3A_170, %dma_start3A_171] : memref<4x128xi32, #tpu.memory_space<vmem>> -> memref<1x128xi32, #tpu.memory_space<vmem>>
    %dma_start3A_173 = tpu.memref_squeeze %dma_start3A_172 : memref<1x128xi32, #tpu.memory_space<vmem>> -> memref<128xi32, #tpu.memory_space<vmem>>
    %dma_start3A_174 = arith.constant 0 : i32
    %dma_start3A_175 = arith.constant 0 : i32
    %dma_start3A_176 = tpu.memref_slice %arg2[%dma_start3A_174, %dma_start3A_175] : memref<8192x256xf32, #tpu.memory_space<hbm>> -> memref<8192x256xf32, #tpu.memory_space<hbm>>
    tpu.enqueue_indirect_dma source(%dma_start3A_176 : memref<8192x256xf32, #tpu.memory_space<hbm>>) target(%arg10 : memref<128x256xf32, #tpu.memory_space<vmem>>) offsets(%dma_start3A_173 : memref<128xi32, #tpu.memory_space<vmem>>) semaphore(%arg15 : memref<!tpu.dma_semaphore, #tpu.memory_space<semaphore_mem>>)
    %dma_wait3A_177 = arith.constant 3 : i32
    %dma_wait3A_178 = arith.constant 0 : i32
    %dma_wait3A_179 = tpu.memref_slice %arg8[%dma_wait3A_177, %dma_wait3A_178] : memref<4x128xi32, #tpu.memory_space<vmem>> -> memref<1x128xi32, #tpu.memory_space<vmem>>
    %dma_wait3A_180 = tpu.memref_squeeze %dma_wait3A_179 : memref<1x128xi32, #tpu.memory_space<vmem>> -> memref<128xi32, #tpu.memory_space<vmem>>
    %dma_wait3A_181 = arith.constant 0 : i32
    %dma_wait3A_182 = arith.constant 0 : i32
    %dma_wait3A_183 = tpu.memref_slice %arg2[%dma_wait3A_181, %dma_wait3A_182] : memref<8192x256xf32, #tpu.memory_space<hbm>> -> memref<8192x256xf32, #tpu.memory_space<hbm>>
    tpu.wait_indirect_dma semaphore(%arg15 : memref<!tpu.dma_semaphore, #tpu.memory_space<semaphore_mem>>) src(%dma_wait3A_183 : memref<8192x256xf32, #tpu.memory_space<hbm>>) dst(%arg10 : memref<128x256xf32, #tpu.memory_space<vmem>>)
    %add3A_184 = arith.constant 384 : i32
    %add3A_185 = arith.addi %mul3A_2, %add3A_184 : i32
    "tpu.region"() ({
      %run_scoped3A = tpu.sem_alloc : memref<!tpu.dma_semaphore, #tpu.memory_space<semaphore_mem>>
      %dma_start3A_253 = arith.constant 0 : i32
      %dma_start3A_254 = tpu.memref_slice %arg5[%add3A_185, %dma_start3A_253] : memref<16384x256xf32, #tpu.memory_space<hbm>> -> memref<128x256xf32, #tpu.memory_space<hbm>>
      %dma_start3A_255 = arith.constant 0 : i32
      %dma_start3A_256 = tpu.memref_slice %arg5[%add3A_185, %dma_start3A_255] : memref<16384x256xf32, #tpu.memory_space<hbm>> -> memref<128x256xf32, #tpu.memory_space<hbm>>
      tpu.enqueue_dma source(%arg10 : memref<128x256xf32, #tpu.memory_space<vmem>>) target(%dma_start3A_256 : memref<128x256xf32, #tpu.memory_space<hbm>>) target_semaphore(%run_scoped3A : memref<!tpu.dma_semaphore, #tpu.memory_space<semaphore_mem>>)
      %dma_wait3A_257 = arith.constant 0 : i32
      %dma_wait3A_258 = tpu.memref_slice %arg5[%add3A_185, %dma_wait3A_257] : memref<16384x256xf32, #tpu.memory_space<hbm>> -> memref<128x256xf32, #tpu.memory_space<hbm>>
      %dma_wait3A_259 = arith.constant 0 : i32
      %dma_wait3A_260 = tpu.memref_slice %arg5[%add3A_185, %dma_wait3A_259] : memref<16384x256xf32, #tpu.memory_space<hbm>> -> memref<128x256xf32, #tpu.memory_space<hbm>>
      tpu.wait_dma2 semaphore(%run_scoped3A : memref<!tpu.dma_semaphore, #tpu.memory_space<semaphore_mem>>) src(%arg10 : memref<128x256xf32, #tpu.memory_space<vmem>>) dst(%dma_wait3A_260 : memref<128x256xf32, #tpu.memory_space<hbm>>)
      tpu.yield
    }) : () -> ()
    %dma_wait3A_186 = arith.constant 0 : i32
    %dma_wait3A_187 = arith.constant 0 : i32
    %dma_wait3A_188 = tpu.memref_slice %arg8[%dma_wait3A_186, %dma_wait3A_187] : memref<4x128xi32, #tpu.memory_space<vmem>> -> memref<1x128xi32, #tpu.memory_space<vmem>>
    %dma_wait3A_189 = tpu.memref_squeeze %dma_wait3A_188 : memref<1x128xi32, #tpu.memory_space<vmem>> -> memref<128xi32, #tpu.memory_space<vmem>>
    %dma_wait3A_190 = arith.constant 0 : i32
    %dma_wait3A_191 = tpu.memref_slice %arg13[%dma_wait3A_190] : memref<8192xf32, #tpu.memory_space<vmem_shared>> -> memref<8192xf32, #tpu.memory_space<vmem_shared>>
    tpu.wait_indirect_dma semaphore(%arg16 : memref<!tpu.dma_semaphore, #tpu.memory_space<semaphore_mem>>) src(%arg11 : memref<128xf32, #tpu.memory_space<vmem>>) dst(%dma_wait3A_191 : memref<8192xf32, #tpu.memory_space<vmem_shared>>)
    %dma_wait3A_192 = arith.constant 1 : i32
    %dma_wait3A_193 = arith.constant 0 : i32
    %dma_wait3A_194 = tpu.memref_slice %arg8[%dma_wait3A_192, %dma_wait3A_193] : memref<4x128xi32, #tpu.memory_space<vmem>> -> memref<1x128xi32, #tpu.memory_space<vmem>>
    %dma_wait3A_195 = tpu.memref_squeeze %dma_wait3A_194 : memref<1x128xi32, #tpu.memory_space<vmem>> -> memref<128xi32, #tpu.memory_space<vmem>>
    %dma_wait3A_196 = arith.constant 0 : i32
    %dma_wait3A_197 = tpu.memref_slice %arg13[%dma_wait3A_196] : memref<8192xf32, #tpu.memory_space<vmem_shared>> -> memref<8192xf32, #tpu.memory_space<vmem_shared>>
    tpu.wait_indirect_dma semaphore(%arg16 : memref<!tpu.dma_semaphore, #tpu.memory_space<semaphore_mem>>) src(%arg11 : memref<128xf32, #tpu.memory_space<vmem>>) dst(%dma_wait3A_197 : memref<8192xf32, #tpu.memory_space<vmem_shared>>)
    %dma_wait3A_198 = arith.constant 2 : i32
    %dma_wait3A_199 = arith.constant 0 : i32
    %dma_wait3A_200 = tpu.memref_slice %arg8[%dma_wait3A_198, %dma_wait3A_199] : memref<4x128xi32, #tpu.memory_space<vmem>> -> memref<1x128xi32, #tpu.memory_space<vmem>>
    %dma_wait3A_201 = tpu.memref_squeeze %dma_wait3A_200 : memref<1x128xi32, #tpu.memory_space<vmem>> -> memref<128xi32, #tpu.memory_space<vmem>>
    %dma_wait3A_202 = arith.constant 0 : i32
    %dma_wait3A_203 = tpu.memref_slice %arg13[%dma_wait3A_202] : memref<8192xf32, #tpu.memory_space<vmem_shared>> -> memref<8192xf32, #tpu.memory_space<vmem_shared>>
    tpu.wait_indirect_dma semaphore(%arg16 : memref<!tpu.dma_semaphore, #tpu.memory_space<semaphore_mem>>) src(%arg11 : memref<128xf32, #tpu.memory_space<vmem>>) dst(%dma_wait3A_203 : memref<8192xf32, #tpu.memory_space<vmem_shared>>)
    %dma_wait3A_204 = arith.constant 3 : i32
    %dma_wait3A_205 = arith.constant 0 : i32
    %dma_wait3A_206 = tpu.memref_slice %arg8[%dma_wait3A_204, %dma_wait3A_205] : memref<4x128xi32, #tpu.memory_space<vmem>> -> memref<1x128xi32, #tpu.memory_space<vmem>>
    %dma_wait3A_207 = tpu.memref_squeeze %dma_wait3A_206 : memref<1x128xi32, #tpu.memory_space<vmem>> -> memref<128xi32, #tpu.memory_space<vmem>>
    %dma_wait3A_208 = arith.constant 0 : i32
    %dma_wait3A_209 = tpu.memref_slice %arg13[%dma_wait3A_208] : memref<8192xf32, #tpu.memory_space<vmem_shared>> -> memref<8192xf32, #tpu.memory_space<vmem_shared>>
    tpu.wait_indirect_dma semaphore(%arg16 : memref<!tpu.dma_semaphore, #tpu.memory_space<semaphore_mem>>) src(%arg11 : memref<128xf32, #tpu.memory_space<vmem>>) dst(%dma_wait3A_209 : memref<8192xf32, #tpu.memory_space<vmem_shared>>)
    %dma_wait3A_210 = arith.constant 0 : i32
    %dma_wait3A_211 = arith.constant 0 : i32
    %dma_wait3A_212 = arith.constant 0 : i32
    %dma_wait3A_213 = tpu.memref_slice %arg9[%dma_wait3A_210, %dma_wait3A_212] : memref<4x128xf32, #tpu.memory_space<vmem>> -> memref<1x128xf32, #tpu.memory_space<vmem>>
    %dma_wait3A_214 = tpu.memref_squeeze %dma_wait3A_213 : memref<1x128xf32, #tpu.memory_space<vmem>> -> memref<128xf32, #tpu.memory_space<vmem>>
    %dma_wait3A_215 = arith.constant 0 : i32
    %dma_wait3A_216 = tpu.memref_slice %arg8[%dma_wait3A_211, %dma_wait3A_215] : memref<4x128xi32, #tpu.memory_space<vmem>> -> memref<1x128xi32, #tpu.memory_space<vmem>>
    %dma_wait3A_217 = tpu.memref_squeeze %dma_wait3A_216 : memref<1x128xi32, #tpu.memory_space<vmem>> -> memref<128xi32, #tpu.memory_space<vmem>>
    %dma_wait3A_218 = arith.constant 0 : i32
    %dma_wait3A_219 = tpu.memref_slice %arg14[%dma_wait3A_218] : memref<8192xf32, #tpu.memory_space<vmem_shared>> -> memref<8192xf32, #tpu.memory_space<vmem_shared>>
    tpu.wait_indirect_dma semaphore(%arg16 : memref<!tpu.dma_semaphore, #tpu.memory_space<semaphore_mem>>) src(%dma_wait3A_214 : memref<128xf32, #tpu.memory_space<vmem>>) dst(%dma_wait3A_219 : memref<8192xf32, #tpu.memory_space<vmem_shared>>)
    %dma_wait3A_220 = arith.constant 1 : i32
    %dma_wait3A_221 = arith.constant 1 : i32
    %dma_wait3A_222 = arith.constant 0 : i32
    %dma_wait3A_223 = tpu.memref_slice %arg9[%dma_wait3A_220, %dma_wait3A_222] : memref<4x128xf32, #tpu.memory_space<vmem>> -> memref<1x128xf32, #tpu.memory_space<vmem>>
    %dma_wait3A_224 = tpu.memref_squeeze %dma_wait3A_223 : memref<1x128xf32, #tpu.memory_space<vmem>> -> memref<128xf32, #tpu.memory_space<vmem>>
    %dma_wait3A_225 = arith.constant 0 : i32
    %dma_wait3A_226 = tpu.memref_slice %arg8[%dma_wait3A_221, %dma_wait3A_225] : memref<4x128xi32, #tpu.memory_space<vmem>> -> memref<1x128xi32, #tpu.memory_space<vmem>>
    %dma_wait3A_227 = tpu.memref_squeeze %dma_wait3A_226 : memref<1x128xi32, #tpu.memory_space<vmem>> -> memref<128xi32, #tpu.memory_space<vmem>>
    %dma_wait3A_228 = arith.constant 0 : i32
    %dma_wait3A_229 = tpu.memref_slice %arg14[%dma_wait3A_228] : memref<8192xf32, #tpu.memory_space<vmem_shared>> -> memref<8192xf32, #tpu.memory_space<vmem_shared>>
    tpu.wait_indirect_dma semaphore(%arg16 : memref<!tpu.dma_semaphore, #tpu.memory_space<semaphore_mem>>) src(%dma_wait3A_224 : memref<128xf32, #tpu.memory_space<vmem>>) dst(%dma_wait3A_229 : memref<8192xf32, #tpu.memory_space<vmem_shared>>)
    %dma_wait3A_230 = arith.constant 2 : i32
    %dma_wait3A_231 = arith.constant 2 : i32
    %dma_wait3A_232 = arith.constant 0 : i32
    %dma_wait3A_233 = tpu.memref_slice %arg9[%dma_wait3A_230, %dma_wait3A_232] : memref<4x128xf32, #tpu.memory_space<vmem>> -> memref<1x128xf32, #tpu.memory_space<vmem>>
    %dma_wait3A_234 = tpu.memref_squeeze %dma_wait3A_233 : memref<1x128xf32, #tpu.memory_space<vmem>> -> memref<128xf32, #tpu.memory_space<vmem>>
    %dma_wait3A_235 = arith.constant 0 : i32
    %dma_wait3A_236 = tpu.memref_slice %arg8[%dma_wait3A_231, %dma_wait3A_235] : memref<4x128xi32, #tpu.memory_space<vmem>> -> memref<1x128xi32, #tpu.memory_space<vmem>>
    %dma_wait3A_237 = tpu.memref_squeeze %dma_wait3A_236 : memref<1x128xi32, #tpu.memory_space<vmem>> -> memref<128xi32, #tpu.memory_space<vmem>>
    %dma_wait3A_238 = arith.constant 0 : i32
    %dma_wait3A_239 = tpu.memref_slice %arg14[%dma_wait3A_238] : memref<8192xf32, #tpu.memory_space<vmem_shared>> -> memref<8192xf32, #tpu.memory_space<vmem_shared>>
    tpu.wait_indirect_dma semaphore(%arg16 : memref<!tpu.dma_semaphore, #tpu.memory_space<semaphore_mem>>) src(%dma_wait3A_234 : memref<128xf32, #tpu.memory_space<vmem>>) dst(%dma_wait3A_239 : memref<8192xf32, #tpu.memory_space<vmem_shared>>)
    %dma_wait3A_240 = arith.constant 3 : i32
    %dma_wait3A_241 = arith.constant 3 : i32
    %dma_wait3A_242 = arith.constant 0 : i32
    %dma_wait3A_243 = tpu.memref_slice %arg9[%dma_wait3A_240, %dma_wait3A_242] : memref<4x128xf32, #tpu.memory_space<vmem>> -> memref<1x128xf32, #tpu.memory_space<vmem>>
    %dma_wait3A_244 = tpu.memref_squeeze %dma_wait3A_243 : memref<1x128xf32, #tpu.memory_space<vmem>> -> memref<128xf32, #tpu.memory_space<vmem>>
    %dma_wait3A_245 = arith.constant 0 : i32
    %dma_wait3A_246 = tpu.memref_slice %arg8[%dma_wait3A_241, %dma_wait3A_245] : memref<4x128xi32, #tpu.memory_space<vmem>> -> memref<1x128xi32, #tpu.memory_space<vmem>>
    %dma_wait3A_247 = tpu.memref_squeeze %dma_wait3A_246 : memref<1x128xi32, #tpu.memory_space<vmem>> -> memref<128xi32, #tpu.memory_space<vmem>>
    %dma_wait3A_248 = arith.constant 0 : i32
    %dma_wait3A_249 = tpu.memref_slice %arg14[%dma_wait3A_248] : memref<8192xf32, #tpu.memory_space<vmem_shared>> -> memref<8192xf32, #tpu.memory_space<vmem_shared>>
    tpu.wait_indirect_dma semaphore(%arg16 : memref<!tpu.dma_semaphore, #tpu.memory_space<semaphore_mem>>) src(%dma_wait3A_244 : memref<128xf32, #tpu.memory_space<vmem>>) dst(%dma_wait3A_249 : memref<8192xf32, #tpu.memory_space<vmem_shared>>)
    %barrier3A_250 = arith.constant 0 : index
    tpu.barrier barrier_id(%barrier3A_250)
    %eq3A = arith.constant 0 : i32
    %eq3A_251 = arith.cmpi eq, %arg1, %eq3A : i32
    %convert_element_type3A = arith.extui %eq3A_251 : i1 to i32
    %cond3A = arith.constant 0 : i32
    %cond3A_252 = arith.cmpi ne, %convert_element_type3A, %cond3A : i32
    scf.if %cond3A_252 {
      "tpu.region"() ({
        %run_scoped3A = tpu.sem_alloc : memref<!tpu.dma_semaphore, #tpu.memory_space<semaphore_mem>>
        %dma_start3A_253 = arith.constant 0 : i32
        %dma_start3A_254 = tpu.memref_slice %arg6[%arg0, %dma_start3A_253] : memref<2x8192xf32, #tpu.memory_space<hbm>> -> memref<1x8192xf32, #tpu.memory_space<hbm>>
        %dma_start3A_255 = tpu.memref_squeeze %dma_start3A_254 : memref<1x8192xf32, #tpu.memory_space<hbm>> -> memref<8192xf32, #tpu.memory_space<hbm>>
        tpu.enqueue_dma source(%arg13 : memref<8192xf32, #tpu.memory_space<vmem_shared>>) target(%dma_start3A_255 : memref<8192xf32, #tpu.memory_space<hbm>>) target_semaphore(%run_scoped3A : memref<!tpu.dma_semaphore, #tpu.memory_space<semaphore_mem>>)
        %dma_wait3A_256 = arith.constant 0 : i32
        %dma_wait3A_257 = tpu.memref_slice %arg6[%arg0, %dma_wait3A_256] : memref<2x8192xf32, #tpu.memory_space<hbm>> -> memref<1x8192xf32, #tpu.memory_space<hbm>>
        %dma_wait3A_258 = tpu.memref_squeeze %dma_wait3A_257 : memref<1x8192xf32, #tpu.memory_space<hbm>> -> memref<8192xf32, #tpu.memory_space<hbm>>
        tpu.wait_dma2 semaphore(%run_scoped3A : memref<!tpu.dma_semaphore, #tpu.memory_space<semaphore_mem>>) src(%arg13 : memref<8192xf32, #tpu.memory_space<vmem_shared>>) dst(%dma_wait3A_258 : memref<8192xf32, #tpu.memory_space<hbm>>)
        tpu.yield
      }) : () -> ()
      "tpu.region"() ({
        %run_scoped3A = tpu.sem_alloc : memref<!tpu.dma_semaphore, #tpu.memory_space<semaphore_mem>>
        %dma_start3A_253 = arith.constant 0 : i32
        %dma_start3A_254 = tpu.memref_slice %arg7[%arg0, %dma_start3A_253] : memref<2x8192xf32, #tpu.memory_space<hbm>> -> memref<1x8192xf32, #tpu.memory_space<hbm>>
        %dma_start3A_255 = tpu.memref_squeeze %dma_start3A_254 : memref<1x8192xf32, #tpu.memory_space<hbm>> -> memref<8192xf32, #tpu.memory_space<hbm>>
        tpu.enqueue_dma source(%arg14 : memref<8192xf32, #tpu.memory_space<vmem_shared>>) target(%dma_start3A_255 : memref<8192xf32, #tpu.memory_space<hbm>>) target_semaphore(%run_scoped3A : memref<!tpu.dma_semaphore, #tpu.memory_space<semaphore_mem>>)
        %dma_wait3A_256 = arith.constant 0 : i32
        %dma_wait3A_257 = tpu.memref_slice %arg7[%arg0, %dma_wait3A_256] : memref<2x8192xf32, #tpu.memory_space<hbm>> -> memref<1x8192xf32, #tpu.memory_space<hbm>>
        %dma_wait3A_258 = tpu.memref_squeeze %dma_wait3A_257 : memref<1x8192xf32, #tpu.memory_space<hbm>> -> memref<8192xf32, #tpu.memory_space<hbm>>
        tpu.wait_dma2 semaphore(%run_scoped3A : memref<!tpu.dma_semaphore, #tpu.memory_space<semaphore_mem>>) src(%arg14 : memref<8192xf32, #tpu.memory_space<vmem_shared>>) dst(%dma_wait3A_258 : memref<8192xf32, #tpu.memory_space<hbm>>)
        tpu.yield
      }) : () -> ()
    } else {
    }
    return
  }
}

module attributes {stable_mosaic.version = 14 : i64} {
  func.func @_normalize_body(%arg0: memref<8192x256xf32, #tpu.memory_space<vmem>>, %arg1: memref<8192x256xbf16, #tpu.memory_space<vmem>>, %arg2: memref<8192x1xf32, #tpu.memory_space<vmem>>) attributes {dimension_semantics = [], scalar_prefetch = 0 : i64, scratch_operands = 0 : i64, tpu.core_type = #tpu.core_type<tc>} {
    %get3A = arith.constant 0 : index
    %get3A_0 = arith.constant 0 : index
    %get3A_1 = vector.load %arg0[%get3A, %get3A_0] : memref<8192x256xf32, #tpu.memory_space<vmem>>, vector<8192x256xf32>
    %mul3A = arith.mulf %get3A_1, %get3A_1 : vector<8192x256xf32>
    %reduce_sum3A = arith.constant dense<0.000000e+00> : vector<8192xf32>
    %reduce_sum3A_2 = vector.multi_reduction <add>, %mul3A, %reduce_sum3A [1] : vector<8192x256xf32> to vector<8192xf32>
    %broadcast_in_dim3A = vector.shape_cast %reduce_sum3A_2 : vector<8192xf32> to vector<8192x1xf32>
    %sqrt3A = math.sqrt %broadcast_in_dim3A : vector<8192x1xf32>
    %max3A = arith.constant 9.99999996E-13 : f32
    %max3A_3 = vector.broadcast %max3A : f32 to vector<8192x1xf32>
    %max3A_4 = arith.maximumf %sqrt3A, %max3A_3 : vector<8192x1xf32>
    %div3A = vector.broadcast %max3A_4 : vector<8192x1xf32> to vector<8192x256xf32>
    %div3A_5 = arith.divf %get3A_1, %div3A : vector<8192x256xf32>
    %convert_element_type3A = arith.truncf %div3A_5 : vector<8192x256xf32> to vector<8192x256xbf16>
    %swap3A = arith.constant 0 : index
    %swap3A_6 = arith.constant 0 : index
    %swap3A_7 = vector.load %arg1[%swap3A, %swap3A_6] : memref<8192x256xbf16, #tpu.memory_space<vmem>>, vector<8192x256xbf16>
    tpu.vector_store %arg1[%swap3A, %swap3A_6], %convert_element_type3A {strides = array<i32>} : memref<8192x256xbf16, #tpu.memory_space<vmem>>, vector<8192x256xbf16>,
    %swap3A_8 = arith.constant 0 : index
    %swap3A_9 = arith.constant 0 : index
    %swap3A_10 = vector.load %arg2[%swap3A_8, %swap3A_9] : memref<8192x1xf32, #tpu.memory_space<vmem>>, vector<8192x1xf32>
    tpu.vector_store %arg2[%swap3A_8, %swap3A_9], %sqrt3A {strides = array<i32>} : memref<8192x1xf32, #tpu.memory_space<vmem>>, vector<8192x1xf32>,
    return
  }
}

module attributes {stable_mosaic.version = 14 : i64} {
  func.func @_finalize_body(%arg0: memref<2x8192xf32, #tpu.memory_space<vmem>>, %arg1: memref<2x8192xf32, #tpu.memory_space<vmem>>, %arg2: memref<1x8192xf32, #tpu.memory_space<vmem>>, %arg3: memref<1x1xf32, #tpu.memory_space<vmem>>, %arg4: memref<1x1xf32, #tpu.memory_space<vmem>>, %arg5: memref<1x1xf32, #tpu.memory_space<vmem>>) attributes {dimension_semantics = [], scalar_prefetch = 0 : i64, scratch_operands = 0 : i64, tpu.core_type = #tpu.core_type<tc>} {
    %get3A = arith.constant 0 : index
    %get3A_0 = arith.constant 0 : index
    %get3A_1 = vector.load %arg3[%get3A, %get3A_0] : memref<1x1xf32, #tpu.memory_space<vmem>>, vector<1x1xf32>
    %reduce_sum3A = vector.shape_cast %get3A_1 : vector<1x1xf32> to vector<1x1x1xf32>
    %reduce_sum3A_2 = arith.constant dense<0.000000e+00> : vector<1xf32>
    %reduce_sum3A_3 = vector.multi_reduction <add>, %reduce_sum3A, %reduce_sum3A_2 [1, 2] : vector<1x1x1xf32> to vector<1xf32>
    %reduce_sum3A_4 = vector.shape_cast %reduce_sum3A_3 : vector<1xf32> to vector<1x1x1xf32>
    %reduce_sum3A_5 = vector.extract %reduce_sum3A_4[0, 0, 0] : f32 from vector<1x1x1xf32>
    %get3A_6 = arith.constant 0 : index
    %get3A_7 = arith.constant 0 : index
    %get3A_8 = vector.load %arg2[%get3A_6, %get3A_7] : memref<1x8192xf32, #tpu.memory_space<vmem>>, vector<1x8192xf32>
    %get3A_9 = arith.constant 0 : index
    %get3A_10 = arith.constant 0 : index
    %get3A_11 = vector.load %arg1[%get3A_9, %get3A_10] : memref<2x8192xf32, #tpu.memory_space<vmem>>, vector<1x8192xf32>
    %get3A_12 = arith.constant 1 : index
    %get3A_13 = arith.constant 0 : index
    %get3A_14 = vector.load %arg1[%get3A_12, %get3A_13] : memref<2x8192xf32, #tpu.memory_space<vmem>>, vector<1x8192xf32>
    %add3A = arith.addf %get3A_11, %get3A_14 : vector<1x8192xf32>
    %get3A_15 = arith.constant 0 : index
    %get3A_16 = arith.constant 0 : index
    %get3A_17 = vector.load %arg0[%get3A_15, %get3A_16] : memref<2x8192xf32, #tpu.memory_space<vmem>>, vector<1x8192xf32>
    %get3A_18 = arith.constant 1 : index
    %get3A_19 = arith.constant 0 : index
    %get3A_20 = vector.load %arg0[%get3A_18, %get3A_19] : memref<2x8192xf32, #tpu.memory_space<vmem>>, vector<1x8192xf32>
    %add3A_21 = arith.addf %get3A_17, %get3A_20 : vector<1x8192xf32>
    %mul3A = arith.mulf %add3A, %get3A_8 : vector<1x8192xf32>
    %reduce_sum3A_22 = vector.shape_cast %mul3A : vector<1x8192xf32> to vector<1x1x8192xf32>
    %reduce_sum3A_23 = arith.constant dense<0.000000e+00> : vector<1xf32>
    %reduce_sum3A_24 = vector.multi_reduction <add>, %reduce_sum3A_22, %reduce_sum3A_23 [1, 2] : vector<1x1x8192xf32> to vector<1xf32>
    %reduce_sum3A_25 = vector.shape_cast %reduce_sum3A_24 : vector<1xf32> to vector<1x1x1xf32>
    %reduce_sum3A_26 = vector.extract %reduce_sum3A_25[0, 0, 0] : f32 from vector<1x1x1xf32>
    %mul3A_27 = arith.mulf %add3A_21, %get3A_8 : vector<1x8192xf32>
    %mul3A_28 = arith.mulf %mul3A_27, %get3A_8 : vector<1x8192xf32>
    %reduce_sum3A_29 = vector.shape_cast %mul3A_28 : vector<1x8192xf32> to vector<1x1x8192xf32>
    %reduce_sum3A_30 = arith.constant dense<0.000000e+00> : vector<1xf32>
    %reduce_sum3A_31 = vector.multi_reduction <add>, %reduce_sum3A_29, %reduce_sum3A_30 [1, 2] : vector<1x1x8192xf32> to vector<1xf32>
    %reduce_sum3A_32 = vector.shape_cast %reduce_sum3A_31 : vector<1xf32> to vector<1x1x1xf32>
    %reduce_sum3A_33 = vector.extract %reduce_sum3A_32[0, 0, 0] : f32 from vector<1x1x1xf32>
    %mul3A_34 = arith.constant 2.000000e+00 : f32
    %mul3A_35 = arith.mulf %mul3A_34, %reduce_sum3A_26 : f32
    %sub3A = arith.subf %reduce_sum3A_5, %mul3A_35 : f32
    %add3A_36 = arith.addf %sub3A, %reduce_sum3A_33 : f32
    %div3A = arith.constant 0x4A800000 : f32
    %div3A_37 = arith.divf %add3A_36, %div3A : f32
    %mul3A_38 = arith.constant 2.500000e-01 : f32
    %mul3A_39 = arith.mulf %mul3A_38, %div3A_37 : f32
    %add3A_40 = arith.addf %mul3A_39, %div3A_37 : f32
    %reshape3A = vector.broadcast %add3A_40 : f32 to vector<1x1xf32>
    %swap3A = arith.constant 0 : index
    %swap3A_41 = arith.constant 0 : index
    %swap3A_42 = vector.load %arg4[%swap3A, %swap3A_41] : memref<1x1xf32, #tpu.memory_space<vmem>>, vector<1x1xf32>
    tpu.vector_store %arg4[%swap3A, %swap3A_41], %reshape3A {strides = array<i32>} : memref<1x1xf32, #tpu.memory_space<vmem>>, vector<1x1xf32>,
    %mul3A_43 = arith.constant 6.10351563E-5 : f32
    %mul3A_44 = vector.broadcast %mul3A_43 : f32 to vector<1x8192xf32>
    %mul3A_45 = arith.mulf %add3A_21, %mul3A_44 : vector<1x8192xf32>
    %add3A_46 = arith.constant 1.000000e-10 : f32
    %add3A_47 = vector.broadcast %add3A_46 : f32 to vector<1x8192xf32>
    %add3A_48 = arith.addf %mul3A_45, %add3A_47 : vector<1x8192xf32>
    %log3A = math.log %add3A_48 : vector<1x8192xf32>
    %mul3A_49 = arith.mulf %mul3A_45, %log3A : vector<1x8192xf32>
    %reduce_sum3A_50 = vector.shape_cast %mul3A_49 : vector<1x8192xf32> to vector<1x1x8192xf32>
    %reduce_sum3A_51 = arith.constant dense<0.000000e+00> : vector<1xf32>
    %reduce_sum3A_52 = vector.multi_reduction <add>, %reduce_sum3A_50, %reduce_sum3A_51 [1, 2] : vector<1x1x8192xf32> to vector<1xf32>
    %reduce_sum3A_53 = vector.shape_cast %reduce_sum3A_52 : vector<1xf32> to vector<1x1x1xf32>
    %reduce_sum3A_54 = vector.extract %reduce_sum3A_53[0, 0, 0] : f32 from vector<1x1x1xf32>
    %neg3A = arith.constant 0.000000e+00 : f32
    %neg3A_55 = arith.subf %neg3A, %reduce_sum3A_54 : f32
    %exp3A = math.exp %neg3A_55 : f32
    %reshape3A_56 = vector.broadcast %exp3A : f32 to vector<1x1xf32>
    %swap3A_57 = arith.constant 0 : index
    %swap3A_58 = arith.constant 0 : index
    %swap3A_59 = vector.load %arg5[%swap3A_57, %swap3A_58] : memref<1x1xf32, #tpu.memory_space<vmem>>, vector<1x1xf32>
    tpu.vector_store %arg5[%swap3A_57, %swap3A_58], %reshape3A_56 {strides = array<i32>} : memref<1x1xf32, #tpu.memory_space<vmem>>, vector<1x1xf32>,
    return
  }
}

module attributes {stable_mosaic.version = 14 : i64} {
  func.func @_argmax_body(%arg0: i32, %arg1: memref<512x256xf32, #tpu.memory_space<vmem>>, %arg2: memref<8192x256xbf16, #tpu.memory_space<vmem>>, %arg3: memref<1x1x512xi32, #tpu.memory_space<vmem>>, %arg4: memref<1x1x512xf32, #tpu.memory_space<vmem>>, %arg5: memref<1x1xf32, #tpu.memory_space<vmem>>, %arg6: memref<1xf32, #tpu.memory_space<smem>>) attributes {dimension_semantics = [#tpu.dimension_semantics<arbitrary>], iteration_bounds = array<i64: 32>, scalar_prefetch = 0 : i64, scratch_operands = 1 : i64, tpu.core_type = #tpu.core_type<tc>, window_params = [{transform_indices = @transform_0, window_bounds = array<i64: 512, 256>}, {pipeline_mode = #tpu.pipeline_mode<synchronous>, transform_indices = @transform_1, window_bounds = array<i64: 8192, 256>}, {transform_indices = @transform_2, window_bounds = array<i64: 1, 1, 512>}, {transform_indices = @transform_3, window_bounds = array<i64: 1, 1, 512>}, {pipeline_mode = #tpu.pipeline_mode<synchronous>, transform_indices = @transform_4, window_bounds = array<i64: 1, 1>}]} {
    %get3A = arith.constant 0 : index
    %get3A_0 = arith.constant 0 : index
    %get3A_1 = vector.load %arg1[%get3A, %get3A_0] : memref<512x256xf32, #tpu.memory_space<vmem>>, vector<512x256xf32>
    %mul3A = arith.mulf %get3A_1, %get3A_1 : vector<512x256xf32>
    %reduce_sum3A = arith.constant dense<0.000000e+00> : vector<512xf32>
    %reduce_sum3A_2 = vector.multi_reduction <add>, %mul3A, %reduce_sum3A [1] : vector<512x256xf32> to vector<512xf32>
    %broadcast_in_dim3A = vector.shape_cast %reduce_sum3A_2 : vector<512xf32> to vector<512x1xf32>
    %sqrt3A = math.sqrt %broadcast_in_dim3A : vector<512x1xf32>
    %max3A = arith.constant 9.99999996E-13 : f32
    %max3A_3 = vector.broadcast %max3A : f32 to vector<512x1xf32>
    %max3A_4 = arith.maximumf %sqrt3A, %max3A_3 : vector<512x1xf32>
    %div3A = vector.broadcast %max3A_4 : vector<512x1xf32> to vector<512x256xf32>
    %div3A_5 = arith.divf %get3A_1, %div3A : vector<512x256xf32>
    %convert_element_type3A = arith.truncf %div3A_5 : vector<512x256xf32> to vector<512x256xbf16>
    %get3A_6 = arith.constant 0 : index
    %get3A_7 = arith.constant 0 : index
    %get3A_8 = vector.load %arg2[%get3A_6, %get3A_7] : memref<8192x256xbf16, #tpu.memory_space<vmem>>, vector<8192x256xbf16>
    %dot_general3A = arith.constant dense<0.000000e+00> : vector<512x8192xf32>
    %dot_general3A_9 = tpu.matmul %convert_element_type3A, %get3A_8, %dot_general3A {dimension_numbers = #tpu.dot_dimension_numbers<[1], [1], [0], [0], [0, 0, 1, 0], [], []>, transpose_lhs_hint = false} : vector<512x256xbf16>, vector<8192x256xbf16>, vector<512x8192xf32> -> vector<512x8192xf32>
    %slice3A = vector.extract_strided_slice %dot_general3A_9 {offsets = [0, 0], sizes = [512, 128], strides = [1, 1]} : vector<512x8192xf32> to vector<512x128xf32>
    %broadcast_in_dim3A_10 = arith.constant 0.000000e+00 : f32
    %broadcast_in_dim3A_11 = vector.broadcast %broadcast_in_dim3A_10 : f32 to vector<512x128xf32>
    %slice3A_12 = vector.extract_strided_slice %dot_general3A_9 {offsets = [0, 128], sizes = [512, 128], strides = [1, 1]} : vector<512x8192xf32> to vector<512x128xf32>
    %ge3A = arith.cmpf oge, %slice3A_12, %slice3A : vector<512x128xf32>
    %max3A_13 = arith.maximumf %slice3A, %slice3A_12 : vector<512x128xf32>
    %jit3A = arith.constant 1.000000e+00 : f32
    %broadcast_in_dim3A_14 = vector.broadcast %jit3A : f32 to vector<512x128xf32>
    %select_n3A = arith.select %ge3A, %broadcast_in_dim3A_14, %broadcast_in_dim3A_11 : vector<512x128xi1>, vector<512x128xf32>
    %slice3A_15 = vector.extract_strided_slice %dot_general3A_9 {offsets = [0, 256], sizes = [512, 128], strides = [1, 1]} : vector<512x8192xf32> to vector<512x128xf32>
    %ge3A_16 = arith.cmpf oge, %slice3A_15, %max3A_13 : vector<512x128xf32>
    %max3A_17 = arith.maximumf %max3A_13, %slice3A_15 : vector<512x128xf32>
    %jit3A_18 = arith.constant 2.000000e+00 : f32
    %broadcast_in_dim3A_19 = vector.broadcast %jit3A_18 : f32 to vector<512x128xf32>
    %select_n3A_20 = arith.select %ge3A_16, %broadcast_in_dim3A_19, %select_n3A : vector<512x128xi1>, vector<512x128xf32>
    %slice3A_21 = vector.extract_strided_slice %dot_general3A_9 {offsets = [0, 384], sizes = [512, 128], strides = [1, 1]} : vector<512x8192xf32> to vector<512x128xf32>
    %ge3A_22 = arith.cmpf oge, %slice3A_21, %max3A_17 : vector<512x128xf32>
    %max3A_23 = arith.maximumf %max3A_17, %slice3A_21 : vector<512x128xf32>
    %jit3A_24 = arith.constant 3.000000e+00 : f32
    %broadcast_in_dim3A_25 = vector.broadcast %jit3A_24 : f32 to vector<512x128xf32>
    %select_n3A_26 = arith.select %ge3A_22, %broadcast_in_dim3A_25, %select_n3A_20 : vector<512x128xi1>, vector<512x128xf32>
    %slice3A_27 = vector.extract_strided_slice %dot_general3A_9 {offsets = [0, 512], sizes = [512, 128], strides = [1, 1]} : vector<512x8192xf32> to vector<512x128xf32>
    %ge3A_28 = arith.cmpf oge, %slice3A_27, %max3A_23 : vector<512x128xf32>
    %max3A_29 = arith.maximumf %max3A_23, %slice3A_27 : vector<512x128xf32>
    %jit3A_30 = arith.constant 4.000000e+00 : f32
    %broadcast_in_dim3A_31 = vector.broadcast %jit3A_30 : f32 to vector<512x128xf32>
    %select_n3A_32 = arith.select %ge3A_28, %broadcast_in_dim3A_31, %select_n3A_26 : vector<512x128xi1>, vector<512x128xf32>
    %slice3A_33 = vector.extract_strided_slice %dot_general3A_9 {offsets = [0, 640], sizes = [512, 128], strides = [1, 1]} : vector<512x8192xf32> to vector<512x128xf32>
    %ge3A_34 = arith.cmpf oge, %slice3A_33, %max3A_29 : vector<512x128xf32>
    %max3A_35 = arith.maximumf %max3A_29, %slice3A_33 : vector<512x128xf32>
    %jit3A_36 = arith.constant 5.000000e+00 : f32
    %broadcast_in_dim3A_37 = vector.broadcast %jit3A_36 : f32 to vector<512x128xf32>
    %select_n3A_38 = arith.select %ge3A_34, %broadcast_in_dim3A_37, %select_n3A_32 : vector<512x128xi1>, vector<512x128xf32>
    %slice3A_39 = vector.extract_strided_slice %dot_general3A_9 {offsets = [0, 768], sizes = [512, 128], strides = [1, 1]} : vector<512x8192xf32> to vector<512x128xf32>
    %ge3A_40 = arith.cmpf oge, %slice3A_39, %max3A_35 : vector<512x128xf32>
    %max3A_41 = arith.maximumf %max3A_35, %slice3A_39 : vector<512x128xf32>
    %jit3A_42 = arith.constant 6.000000e+00 : f32
    %broadcast_in_dim3A_43 = vector.broadcast %jit3A_42 : f32 to vector<512x128xf32>
    %select_n3A_44 = arith.select %ge3A_40, %broadcast_in_dim3A_43, %select_n3A_38 : vector<512x128xi1>, vector<512x128xf32>
    %slice3A_45 = vector.extract_strided_slice %dot_general3A_9 {offsets = [0, 896], sizes = [512, 128], strides = [1, 1]} : vector<512x8192xf32> to vector<512x128xf32>
    %ge3A_46 = arith.cmpf oge, %slice3A_45, %max3A_41 : vector<512x128xf32>
    %max3A_47 = arith.maximumf %max3A_41, %slice3A_45 : vector<512x128xf32>
    %jit3A_48 = arith.constant 7.000000e+00 : f32
    %broadcast_in_dim3A_49 = vector.broadcast %jit3A_48 : f32 to vector<512x128xf32>
    %select_n3A_50 = arith.select %ge3A_46, %broadcast_in_dim3A_49, %select_n3A_44 : vector<512x128xi1>, vector<512x128xf32>
    %slice3A_51 = vector.extract_strided_slice %dot_general3A_9 {offsets = [0, 1024], sizes = [512, 128], strides = [1, 1]} : vector<512x8192xf32> to vector<512x128xf32>
    %ge3A_52 = arith.cmpf oge, %slice3A_51, %max3A_47 : vector<512x128xf32>
    %max3A_53 = arith.maximumf %max3A_47, %slice3A_51 : vector<512x128xf32>
    %jit3A_54 = arith.constant 8.000000e+00 : f32
    %broadcast_in_dim3A_55 = vector.broadcast %jit3A_54 : f32 to vector<512x128xf32>
    %select_n3A_56 = arith.select %ge3A_52, %broadcast_in_dim3A_55, %select_n3A_50 : vector<512x128xi1>, vector<512x128xf32>
    %slice3A_57 = vector.extract_strided_slice %dot_general3A_9 {offsets = [0, 1152], sizes = [512, 128], strides = [1, 1]} : vector<512x8192xf32> to vector<512x128xf32>
    %ge3A_58 = arith.cmpf oge, %slice3A_57, %max3A_53 : vector<512x128xf32>
    %max3A_59 = arith.maximumf %max3A_53, %slice3A_57 : vector<512x128xf32>
    %jit3A_60 = arith.constant 9.000000e+00 : f32
    %broadcast_in_dim3A_61 = vector.broadcast %jit3A_60 : f32 to vector<512x128xf32>
    %select_n3A_62 = arith.select %ge3A_58, %broadcast_in_dim3A_61, %select_n3A_56 : vector<512x128xi1>, vector<512x128xf32>
    %slice3A_63 = vector.extract_strided_slice %dot_general3A_9 {offsets = [0, 1280], sizes = [512, 128], strides = [1, 1]} : vector<512x8192xf32> to vector<512x128xf32>
    %ge3A_64 = arith.cmpf oge, %slice3A_63, %max3A_59 : vector<512x128xf32>
    %max3A_65 = arith.maximumf %max3A_59, %slice3A_63 : vector<512x128xf32>
    %jit3A_66 = arith.constant 1.000000e+01 : f32
    %broadcast_in_dim3A_67 = vector.broadcast %jit3A_66 : f32 to vector<512x128xf32>
    %select_n3A_68 = arith.select %ge3A_64, %broadcast_in_dim3A_67, %select_n3A_62 : vector<512x128xi1>, vector<512x128xf32>
    %slice3A_69 = vector.extract_strided_slice %dot_general3A_9 {offsets = [0, 1408], sizes = [512, 128], strides = [1, 1]} : vector<512x8192xf32> to vector<512x128xf32>
    %ge3A_70 = arith.cmpf oge, %slice3A_69, %max3A_65 : vector<512x128xf32>
    %max3A_71 = arith.maximumf %max3A_65, %slice3A_69 : vector<512x128xf32>
    %jit3A_72 = arith.constant 1.100000e+01 : f32
    %broadcast_in_dim3A_73 = vector.broadcast %jit3A_72 : f32 to vector<512x128xf32>
    %select_n3A_74 = arith.select %ge3A_70, %broadcast_in_dim3A_73, %select_n3A_68 : vector<512x128xi1>, vector<512x128xf32>
    %slice3A_75 = vector.extract_strided_slice %dot_general3A_9 {offsets = [0, 1536], sizes = [512, 128], strides = [1, 1]} : vector<512x8192xf32> to vector<512x128xf32>
    %ge3A_76 = arith.cmpf oge, %slice3A_75, %max3A_71 : vector<512x128xf32>
    %max3A_77 = arith.maximumf %max3A_71, %slice3A_75 : vector<512x128xf32>
    %jit3A_78 = arith.constant 1.200000e+01 : f32
    %broadcast_in_dim3A_79 = vector.broadcast %jit3A_78 : f32 to vector<512x128xf32>
    %select_n3A_80 = arith.select %ge3A_76, %broadcast_in_dim3A_79, %select_n3A_74 : vector<512x128xi1>, vector<512x128xf32>
    %slice3A_81 = vector.extract_strided_slice %dot_general3A_9 {offsets = [0, 1664], sizes = [512, 128], strides = [1, 1]} : vector<512x8192xf32> to vector<512x128xf32>
    %ge3A_82 = arith.cmpf oge, %slice3A_81, %max3A_77 : vector<512x128xf32>
    %max3A_83 = arith.maximumf %max3A_77, %slice3A_81 : vector<512x128xf32>
    %jit3A_84 = arith.constant 1.300000e+01 : f32
    %broadcast_in_dim3A_85 = vector.broadcast %jit3A_84 : f32 to vector<512x128xf32>
    %select_n3A_86 = arith.select %ge3A_82, %broadcast_in_dim3A_85, %select_n3A_80 : vector<512x128xi1>, vector<512x128xf32>
    %slice3A_87 = vector.extract_strided_slice %dot_general3A_9 {offsets = [0, 1792], sizes = [512, 128], strides = [1, 1]} : vector<512x8192xf32> to vector<512x128xf32>
    %ge3A_88 = arith.cmpf oge, %slice3A_87, %max3A_83 : vector<512x128xf32>
    %max3A_89 = arith.maximumf %max3A_83, %slice3A_87 : vector<512x128xf32>
    %jit3A_90 = arith.constant 1.400000e+01 : f32
    %broadcast_in_dim3A_91 = vector.broadcast %jit3A_90 : f32 to vector<512x128xf32>
    %select_n3A_92 = arith.select %ge3A_88, %broadcast_in_dim3A_91, %select_n3A_86 : vector<512x128xi1>, vector<512x128xf32>
    %slice3A_93 = vector.extract_strided_slice %dot_general3A_9 {offsets = [0, 1920], sizes = [512, 128], strides = [1, 1]} : vector<512x8192xf32> to vector<512x128xf32>
    %ge3A_94 = arith.cmpf oge, %slice3A_93, %max3A_89 : vector<512x128xf32>
    %max3A_95 = arith.maximumf %max3A_89, %slice3A_93 : vector<512x128xf32>
    %jit3A_96 = arith.constant 1.500000e+01 : f32
    %broadcast_in_dim3A_97 = vector.broadcast %jit3A_96 : f32 to vector<512x128xf32>
    %select_n3A_98 = arith.select %ge3A_94, %broadcast_in_dim3A_97, %select_n3A_92 : vector<512x128xi1>, vector<512x128xf32>
    %slice3A_99 = vector.extract_strided_slice %dot_general3A_9 {offsets = [0, 2048], sizes = [512, 128], strides = [1, 1]} : vector<512x8192xf32> to vector<512x128xf32>
    %ge3A_100 = arith.cmpf oge, %slice3A_99, %max3A_95 : vector<512x128xf32>
    %max3A_101 = arith.maximumf %max3A_95, %slice3A_99 : vector<512x128xf32>
    %jit3A_102 = arith.constant 1.600000e+01 : f32
    %broadcast_in_dim3A_103 = vector.broadcast %jit3A_102 : f32 to vector<512x128xf32>
    %select_n3A_104 = arith.select %ge3A_100, %broadcast_in_dim3A_103, %select_n3A_98 : vector<512x128xi1>, vector<512x128xf32>
    %slice3A_105 = vector.extract_strided_slice %dot_general3A_9 {offsets = [0, 2176], sizes = [512, 128], strides = [1, 1]} : vector<512x8192xf32> to vector<512x128xf32>
    %ge3A_106 = arith.cmpf oge, %slice3A_105, %max3A_101 : vector<512x128xf32>
    %max3A_107 = arith.maximumf %max3A_101, %slice3A_105 : vector<512x128xf32>
    %jit3A_108 = arith.constant 1.700000e+01 : f32
    %broadcast_in_dim3A_109 = vector.broadcast %jit3A_108 : f32 to vector<512x128xf32>
    %select_n3A_110 = arith.select %ge3A_106, %broadcast_in_dim3A_109, %select_n3A_104 : vector<512x128xi1>, vector<512x128xf32>
    %slice3A_111 = vector.extract_strided_slice %dot_general3A_9 {offsets = [0, 2304], sizes = [512, 128], strides = [1, 1]} : vector<512x8192xf32> to vector<512x128xf32>
    %ge3A_112 = arith.cmpf oge, %slice3A_111, %max3A_107 : vector<512x128xf32>
    %max3A_113 = arith.maximumf %max3A_107, %slice3A_111 : vector<512x128xf32>
    %jit3A_114 = arith.constant 1.800000e+01 : f32
    %broadcast_in_dim3A_115 = vector.broadcast %jit3A_114 : f32 to vector<512x128xf32>
    %select_n3A_116 = arith.select %ge3A_112, %broadcast_in_dim3A_115, %select_n3A_110 : vector<512x128xi1>, vector<512x128xf32>
    %slice3A_117 = vector.extract_strided_slice %dot_general3A_9 {offsets = [0, 2432], sizes = [512, 128], strides = [1, 1]} : vector<512x8192xf32> to vector<512x128xf32>
    %ge3A_118 = arith.cmpf oge, %slice3A_117, %max3A_113 : vector<512x128xf32>
    %max3A_119 = arith.maximumf %max3A_113, %slice3A_117 : vector<512x128xf32>
    %jit3A_120 = arith.constant 1.900000e+01 : f32
    %broadcast_in_dim3A_121 = vector.broadcast %jit3A_120 : f32 to vector<512x128xf32>
    %select_n3A_122 = arith.select %ge3A_118, %broadcast_in_dim3A_121, %select_n3A_116 : vector<512x128xi1>, vector<512x128xf32>
    %slice3A_123 = vector.extract_strided_slice %dot_general3A_9 {offsets = [0, 2560], sizes = [512, 128], strides = [1, 1]} : vector<512x8192xf32> to vector<512x128xf32>
    %ge3A_124 = arith.cmpf oge, %slice3A_123, %max3A_119 : vector<512x128xf32>
    %max3A_125 = arith.maximumf %max3A_119, %slice3A_123 : vector<512x128xf32>
    %jit3A_126 = arith.constant 2.000000e+01 : f32
    %broadcast_in_dim3A_127 = vector.broadcast %jit3A_126 : f32 to vector<512x128xf32>
    %select_n3A_128 = arith.select %ge3A_124, %broadcast_in_dim3A_127, %select_n3A_122 : vector<512x128xi1>, vector<512x128xf32>
    %slice3A_129 = vector.extract_strided_slice %dot_general3A_9 {offsets = [0, 2688], sizes = [512, 128], strides = [1, 1]} : vector<512x8192xf32> to vector<512x128xf32>
    %ge3A_130 = arith.cmpf oge, %slice3A_129, %max3A_125 : vector<512x128xf32>
    %max3A_131 = arith.maximumf %max3A_125, %slice3A_129 : vector<512x128xf32>
    %jit3A_132 = arith.constant 2.100000e+01 : f32
    %broadcast_in_dim3A_133 = vector.broadcast %jit3A_132 : f32 to vector<512x128xf32>
    %select_n3A_134 = arith.select %ge3A_130, %broadcast_in_dim3A_133, %select_n3A_128 : vector<512x128xi1>, vector<512x128xf32>
    %slice3A_135 = vector.extract_strided_slice %dot_general3A_9 {offsets = [0, 2816], sizes = [512, 128], strides = [1, 1]} : vector<512x8192xf32> to vector<512x128xf32>
    %ge3A_136 = arith.cmpf oge, %slice3A_135, %max3A_131 : vector<512x128xf32>
    %max3A_137 = arith.maximumf %max3A_131, %slice3A_135 : vector<512x128xf32>
    %jit3A_138 = arith.constant 2.200000e+01 : f32
    %broadcast_in_dim3A_139 = vector.broadcast %jit3A_138 : f32 to vector<512x128xf32>
    %select_n3A_140 = arith.select %ge3A_136, %broadcast_in_dim3A_139, %select_n3A_134 : vector<512x128xi1>, vector<512x128xf32>
    %slice3A_141 = vector.extract_strided_slice %dot_general3A_9 {offsets = [0, 2944], sizes = [512, 128], strides = [1, 1]} : vector<512x8192xf32> to vector<512x128xf32>
    %ge3A_142 = arith.cmpf oge, %slice3A_141, %max3A_137 : vector<512x128xf32>
    %max3A_143 = arith.maximumf %max3A_137, %slice3A_141 : vector<512x128xf32>
    %jit3A_144 = arith.constant 2.300000e+01 : f32
    %broadcast_in_dim3A_145 = vector.broadcast %jit3A_144 : f32 to vector<512x128xf32>
    %select_n3A_146 = arith.select %ge3A_142, %broadcast_in_dim3A_145, %select_n3A_140 : vector<512x128xi1>, vector<512x128xf32>
    %slice3A_147 = vector.extract_strided_slice %dot_general3A_9 {offsets = [0, 3072], sizes = [512, 128], strides = [1, 1]} : vector<512x8192xf32> to vector<512x128xf32>
    %ge3A_148 = arith.cmpf oge, %slice3A_147, %max3A_143 : vector<512x128xf32>
    %max3A_149 = arith.maximumf %max3A_143, %slice3A_147 : vector<512x128xf32>
    %jit3A_150 = arith.constant 2.400000e+01 : f32
    %broadcast_in_dim3A_151 = vector.broadcast %jit3A_150 : f32 to vector<512x128xf32>
    %select_n3A_152 = arith.select %ge3A_148, %broadcast_in_dim3A_151, %select_n3A_146 : vector<512x128xi1>, vector<512x128xf32>
    %slice3A_153 = vector.extract_strided_slice %dot_general3A_9 {offsets = [0, 3200], sizes = [512, 128], strides = [1, 1]} : vector<512x8192xf32> to vector<512x128xf32>
    %ge3A_154 = arith.cmpf oge, %slice3A_153, %max3A_149 : vector<512x128xf32>
    %max3A_155 = arith.maximumf %max3A_149, %slice3A_153 : vector<512x128xf32>
    %jit3A_156 = arith.constant 2.500000e+01 : f32
    %broadcast_in_dim3A_157 = vector.broadcast %jit3A_156 : f32 to vector<512x128xf32>
    %select_n3A_158 = arith.select %ge3A_154, %broadcast_in_dim3A_157, %select_n3A_152 : vector<512x128xi1>, vector<512x128xf32>
    %slice3A_159 = vector.extract_strided_slice %dot_general3A_9 {offsets = [0, 3328], sizes = [512, 128], strides = [1, 1]} : vector<512x8192xf32> to vector<512x128xf32>
    %ge3A_160 = arith.cmpf oge, %slice3A_159, %max3A_155 : vector<512x128xf32>
    %max3A_161 = arith.maximumf %max3A_155, %slice3A_159 : vector<512x128xf32>
    %jit3A_162 = arith.constant 2.600000e+01 : f32
    %broadcast_in_dim3A_163 = vector.broadcast %jit3A_162 : f32 to vector<512x128xf32>
    %select_n3A_164 = arith.select %ge3A_160, %broadcast_in_dim3A_163, %select_n3A_158 : vector<512x128xi1>, vector<512x128xf32>
    %slice3A_165 = vector.extract_strided_slice %dot_general3A_9 {offsets = [0, 3456], sizes = [512, 128], strides = [1, 1]} : vector<512x8192xf32> to vector<512x128xf32>
    %ge3A_166 = arith.cmpf oge, %slice3A_165, %max3A_161 : vector<512x128xf32>
    %max3A_167 = arith.maximumf %max3A_161, %slice3A_165 : vector<512x128xf32>
    %jit3A_168 = arith.constant 2.700000e+01 : f32
    %broadcast_in_dim3A_169 = vector.broadcast %jit3A_168 : f32 to vector<512x128xf32>
    %select_n3A_170 = arith.select %ge3A_166, %broadcast_in_dim3A_169, %select_n3A_164 : vector<512x128xi1>, vector<512x128xf32>
    %slice3A_171 = vector.extract_strided_slice %dot_general3A_9 {offsets = [0, 3584], sizes = [512, 128], strides = [1, 1]} : vector<512x8192xf32> to vector<512x128xf32>
    %ge3A_172 = arith.cmpf oge, %slice3A_171, %max3A_167 : vector<512x128xf32>
    %max3A_173 = arith.maximumf %max3A_167, %slice3A_171 : vector<512x128xf32>
    %jit3A_174 = arith.constant 2.800000e+01 : f32
    %broadcast_in_dim3A_175 = vector.broadcast %jit3A_174 : f32 to vector<512x128xf32>
    %select_n3A_176 = arith.select %ge3A_172, %broadcast_in_dim3A_175, %select_n3A_170 : vector<512x128xi1>, vector<512x128xf32>
    %slice3A_177 = vector.extract_strided_slice %dot_general3A_9 {offsets = [0, 3712], sizes = [512, 128], strides = [1, 1]} : vector<512x8192xf32> to vector<512x128xf32>
    %ge3A_178 = arith.cmpf oge, %slice3A_177, %max3A_173 : vector<512x128xf32>
    %max3A_179 = arith.maximumf %max3A_173, %slice3A_177 : vector<512x128xf32>
    %jit3A_180 = arith.constant 2.900000e+01 : f32
    %broadcast_in_dim3A_181 = vector.broadcast %jit3A_180 : f32 to vector<512x128xf32>
    %select_n3A_182 = arith.select %ge3A_178, %broadcast_in_dim3A_181, %select_n3A_176 : vector<512x128xi1>, vector<512x128xf32>
    %slice3A_183 = vector.extract_strided_slice %dot_general3A_9 {offsets = [0, 3840], sizes = [512, 128], strides = [1, 1]} : vector<512x8192xf32> to vector<512x128xf32>
    %ge3A_184 = arith.cmpf oge, %slice3A_183, %max3A_179 : vector<512x128xf32>
    %max3A_185 = arith.maximumf %max3A_179, %slice3A_183 : vector<512x128xf32>
    %jit3A_186 = arith.constant 3.000000e+01 : f32
    %broadcast_in_dim3A_187 = vector.broadcast %jit3A_186 : f32 to vector<512x128xf32>
    %select_n3A_188 = arith.select %ge3A_184, %broadcast_in_dim3A_187, %select_n3A_182 : vector<512x128xi1>, vector<512x128xf32>
    %slice3A_189 = vector.extract_strided_slice %dot_general3A_9 {offsets = [0, 3968], sizes = [512, 128], strides = [1, 1]} : vector<512x8192xf32> to vector<512x128xf32>
    %ge3A_190 = arith.cmpf oge, %slice3A_189, %max3A_185 : vector<512x128xf32>
    %max3A_191 = arith.maximumf %max3A_185, %slice3A_189 : vector<512x128xf32>
    %jit3A_192 = arith.constant 3.100000e+01 : f32
    %broadcast_in_dim3A_193 = vector.broadcast %jit3A_192 : f32 to vector<512x128xf32>
    %select_n3A_194 = arith.select %ge3A_190, %broadcast_in_dim3A_193, %select_n3A_188 : vector<512x128xi1>, vector<512x128xf32>
    %slice3A_195 = vector.extract_strided_slice %dot_general3A_9 {offsets = [0, 4096], sizes = [512, 128], strides = [1, 1]} : vector<512x8192xf32> to vector<512x128xf32>
    %ge3A_196 = arith.cmpf oge, %slice3A_195, %max3A_191 : vector<512x128xf32>
    %max3A_197 = arith.maximumf %max3A_191, %slice3A_195 : vector<512x128xf32>
    %jit3A_198 = arith.constant 3.200000e+01 : f32
    %broadcast_in_dim3A_199 = vector.broadcast %jit3A_198 : f32 to vector<512x128xf32>
    %select_n3A_200 = arith.select %ge3A_196, %broadcast_in_dim3A_199, %select_n3A_194 : vector<512x128xi1>, vector<512x128xf32>
    %slice3A_201 = vector.extract_strided_slice %dot_general3A_9 {offsets = [0, 4224], sizes = [512, 128], strides = [1, 1]} : vector<512x8192xf32> to vector<512x128xf32>
    %ge3A_202 = arith.cmpf oge, %slice3A_201, %max3A_197 : vector<512x128xf32>
    %max3A_203 = arith.maximumf %max3A_197, %slice3A_201 : vector<512x128xf32>
    %jit3A_204 = arith.constant 3.300000e+01 : f32
    %broadcast_in_dim3A_205 = vector.broadcast %jit3A_204 : f32 to vector<512x128xf32>
    %select_n3A_206 = arith.select %ge3A_202, %broadcast_in_dim3A_205, %select_n3A_200 : vector<512x128xi1>, vector<512x128xf32>
    %slice3A_207 = vector.extract_strided_slice %dot_general3A_9 {offsets = [0, 4352], sizes = [512, 128], strides = [1, 1]} : vector<512x8192xf32> to vector<512x128xf32>
    %ge3A_208 = arith.cmpf oge, %slice3A_207, %max3A_203 : vector<512x128xf32>
    %max3A_209 = arith.maximumf %max3A_203, %slice3A_207 : vector<512x128xf32>
    %jit3A_210 = arith.constant 3.400000e+01 : f32
    %broadcast_in_dim3A_211 = vector.broadcast %jit3A_210 : f32 to vector<512x128xf32>
    %select_n3A_212 = arith.select %ge3A_208, %broadcast_in_dim3A_211, %select_n3A_206 : vector<512x128xi1>, vector<512x128xf32>
    %slice3A_213 = vector.extract_strided_slice %dot_general3A_9 {offsets = [0, 4480], sizes = [512, 128], strides = [1, 1]} : vector<512x8192xf32> to vector<512x128xf32>
    %ge3A_214 = arith.cmpf oge, %slice3A_213, %max3A_209 : vector<512x128xf32>
    %max3A_215 = arith.maximumf %max3A_209, %slice3A_213 : vector<512x128xf32>
    %jit3A_216 = arith.constant 3.500000e+01 : f32
    %broadcast_in_dim3A_217 = vector.broadcast %jit3A_216 : f32 to vector<512x128xf32>
    %select_n3A_218 = arith.select %ge3A_214, %broadcast_in_dim3A_217, %select_n3A_212 : vector<512x128xi1>, vector<512x128xf32>
    %slice3A_219 = vector.extract_strided_slice %dot_general3A_9 {offsets = [0, 4608], sizes = [512, 128], strides = [1, 1]} : vector<512x8192xf32> to vector<512x128xf32>
    %ge3A_220 = arith.cmpf oge, %slice3A_219, %max3A_215 : vector<512x128xf32>
    %max3A_221 = arith.maximumf %max3A_215, %slice3A_219 : vector<512x128xf32>
    %jit3A_222 = arith.constant 3.600000e+01 : f32
    %broadcast_in_dim3A_223 = vector.broadcast %jit3A_222 : f32 to vector<512x128xf32>
    %select_n3A_224 = arith.select %ge3A_220, %broadcast_in_dim3A_223, %select_n3A_218 : vector<512x128xi1>, vector<512x128xf32>
    %slice3A_225 = vector.extract_strided_slice %dot_general3A_9 {offsets = [0, 4736], sizes = [512, 128], strides = [1, 1]} : vector<512x8192xf32> to vector<512x128xf32>
    %ge3A_226 = arith.cmpf oge, %slice3A_225, %max3A_221 : vector<512x128xf32>
    %max3A_227 = arith.maximumf %max3A_221, %slice3A_225 : vector<512x128xf32>
    %jit3A_228 = arith.constant 3.700000e+01 : f32
    %broadcast_in_dim3A_229 = vector.broadcast %jit3A_228 : f32 to vector<512x128xf32>
    %select_n3A_230 = arith.select %ge3A_226, %broadcast_in_dim3A_229, %select_n3A_224 : vector<512x128xi1>, vector<512x128xf32>
    %slice3A_231 = vector.extract_strided_slice %dot_general3A_9 {offsets = [0, 4864], sizes = [512, 128], strides = [1, 1]} : vector<512x8192xf32> to vector<512x128xf32>
    %ge3A_232 = arith.cmpf oge, %slice3A_231, %max3A_227 : vector<512x128xf32>
    %max3A_233 = arith.maximumf %max3A_227, %slice3A_231 : vector<512x128xf32>
    %jit3A_234 = arith.constant 3.800000e+01 : f32
    %broadcast_in_dim3A_235 = vector.broadcast %jit3A_234 : f32 to vector<512x128xf32>
    %select_n3A_236 = arith.select %ge3A_232, %broadcast_in_dim3A_235, %select_n3A_230 : vector<512x128xi1>, vector<512x128xf32>
    %slice3A_237 = vector.extract_strided_slice %dot_general3A_9 {offsets = [0, 4992], sizes = [512, 128], strides = [1, 1]} : vector<512x8192xf32> to vector<512x128xf32>
    %ge3A_238 = arith.cmpf oge, %slice3A_237, %max3A_233 : vector<512x128xf32>
    %max3A_239 = arith.maximumf %max3A_233, %slice3A_237 : vector<512x128xf32>
    %jit3A_240 = arith.constant 3.900000e+01 : f32
    %broadcast_in_dim3A_241 = vector.broadcast %jit3A_240 : f32 to vector<512x128xf32>
    %select_n3A_242 = arith.select %ge3A_238, %broadcast_in_dim3A_241, %select_n3A_236 : vector<512x128xi1>, vector<512x128xf32>
    %slice3A_243 = vector.extract_strided_slice %dot_general3A_9 {offsets = [0, 5120], sizes = [512, 128], strides = [1, 1]} : vector<512x8192xf32> to vector<512x128xf32>
    %ge3A_244 = arith.cmpf oge, %slice3A_243, %max3A_239 : vector<512x128xf32>
    %max3A_245 = arith.maximumf %max3A_239, %slice3A_243 : vector<512x128xf32>
    %jit3A_246 = arith.constant 4.000000e+01 : f32
    %broadcast_in_dim3A_247 = vector.broadcast %jit3A_246 : f32 to vector<512x128xf32>
    %select_n3A_248 = arith.select %ge3A_244, %broadcast_in_dim3A_247, %select_n3A_242 : vector<512x128xi1>, vector<512x128xf32>
    %slice3A_249 = vector.extract_strided_slice %dot_general3A_9 {offsets = [0, 5248], sizes = [512, 128], strides = [1, 1]} : vector<512x8192xf32> to vector<512x128xf32>
    %ge3A_250 = arith.cmpf oge, %slice3A_249, %max3A_245 : vector<512x128xf32>
    %max3A_251 = arith.maximumf %max3A_245, %slice3A_249 : vector<512x128xf32>
    %jit3A_252 = arith.constant 4.100000e+01 : f32
    %broadcast_in_dim3A_253 = vector.broadcast %jit3A_252 : f32 to vector<512x128xf32>
    %select_n3A_254 = arith.select %ge3A_250, %broadcast_in_dim3A_253, %select_n3A_248 : vector<512x128xi1>, vector<512x128xf32>
    %slice3A_255 = vector.extract_strided_slice %dot_general3A_9 {offsets = [0, 5376], sizes = [512, 128], strides = [1, 1]} : vector<512x8192xf32> to vector<512x128xf32>
    %ge3A_256 = arith.cmpf oge, %slice3A_255, %max3A_251 : vector<512x128xf32>
    %max3A_257 = arith.maximumf %max3A_251, %slice3A_255 : vector<512x128xf32>
    %jit3A_258 = arith.constant 4.200000e+01 : f32
    %broadcast_in_dim3A_259 = vector.broadcast %jit3A_258 : f32 to vector<512x128xf32>
    %select_n3A_260 = arith.select %ge3A_256, %broadcast_in_dim3A_259, %select_n3A_254 : vector<512x128xi1>, vector<512x128xf32>
    %slice3A_261 = vector.extract_strided_slice %dot_general3A_9 {offsets = [0, 5504], sizes = [512, 128], strides = [1, 1]} : vector<512x8192xf32> to vector<512x128xf32>
    %ge3A_262 = arith.cmpf oge, %slice3A_261, %max3A_257 : vector<512x128xf32>
    %max3A_263 = arith.maximumf %max3A_257, %slice3A_261 : vector<512x128xf32>
    %jit3A_264 = arith.constant 4.300000e+01 : f32
    %broadcast_in_dim3A_265 = vector.broadcast %jit3A_264 : f32 to vector<512x128xf32>
    %select_n3A_266 = arith.select %ge3A_262, %broadcast_in_dim3A_265, %select_n3A_260 : vector<512x128xi1>, vector<512x128xf32>
    %slice3A_267 = vector.extract_strided_slice %dot_general3A_9 {offsets = [0, 5632], sizes = [512, 128], strides = [1, 1]} : vector<512x8192xf32> to vector<512x128xf32>
    %ge3A_268 = arith.cmpf oge, %slice3A_267, %max3A_263 : vector<512x128xf32>
    %max3A_269 = arith.maximumf %max3A_263, %slice3A_267 : vector<512x128xf32>
    %jit3A_270 = arith.constant 4.400000e+01 : f32
    %broadcast_in_dim3A_271 = vector.broadcast %jit3A_270 : f32 to vector<512x128xf32>
    %select_n3A_272 = arith.select %ge3A_268, %broadcast_in_dim3A_271, %select_n3A_266 : vector<512x128xi1>, vector<512x128xf32>
    %slice3A_273 = vector.extract_strided_slice %dot_general3A_9 {offsets = [0, 5760], sizes = [512, 128], strides = [1, 1]} : vector<512x8192xf32> to vector<512x128xf32>
    %ge3A_274 = arith.cmpf oge, %slice3A_273, %max3A_269 : vector<512x128xf32>
    %max3A_275 = arith.maximumf %max3A_269, %slice3A_273 : vector<512x128xf32>
    %jit3A_276 = arith.constant 4.500000e+01 : f32
    %broadcast_in_dim3A_277 = vector.broadcast %jit3A_276 : f32 to vector<512x128xf32>
    %select_n3A_278 = arith.select %ge3A_274, %broadcast_in_dim3A_277, %select_n3A_272 : vector<512x128xi1>, vector<512x128xf32>
    %slice3A_279 = vector.extract_strided_slice %dot_general3A_9 {offsets = [0, 5888], sizes = [512, 128], strides = [1, 1]} : vector<512x8192xf32> to vector<512x128xf32>
    %ge3A_280 = arith.cmpf oge, %slice3A_279, %max3A_275 : vector<512x128xf32>
    %max3A_281 = arith.maximumf %max3A_275, %slice3A_279 : vector<512x128xf32>
    %jit3A_282 = arith.constant 4.600000e+01 : f32
    %broadcast_in_dim3A_283 = vector.broadcast %jit3A_282 : f32 to vector<512x128xf32>
    %select_n3A_284 = arith.select %ge3A_280, %broadcast_in_dim3A_283, %select_n3A_278 : vector<512x128xi1>, vector<512x128xf32>
    %slice3A_285 = vector.extract_strided_slice %dot_general3A_9 {offsets = [0, 6016], sizes = [512, 128], strides = [1, 1]} : vector<512x8192xf32> to vector<512x128xf32>
    %ge3A_286 = arith.cmpf oge, %slice3A_285, %max3A_281 : vector<512x128xf32>
    %max3A_287 = arith.maximumf %max3A_281, %slice3A_285 : vector<512x128xf32>
    %jit3A_288 = arith.constant 4.700000e+01 : f32
    %broadcast_in_dim3A_289 = vector.broadcast %jit3A_288 : f32 to vector<512x128xf32>
    %select_n3A_290 = arith.select %ge3A_286, %broadcast_in_dim3A_289, %select_n3A_284 : vector<512x128xi1>, vector<512x128xf32>
    %slice3A_291 = vector.extract_strided_slice %dot_general3A_9 {offsets = [0, 6144], sizes = [512, 128], strides = [1, 1]} : vector<512x8192xf32> to vector<512x128xf32>
    %ge3A_292 = arith.cmpf oge, %slice3A_291, %max3A_287 : vector<512x128xf32>
    %max3A_293 = arith.maximumf %max3A_287, %slice3A_291 : vector<512x128xf32>
    %jit3A_294 = arith.constant 4.800000e+01 : f32
    %broadcast_in_dim3A_295 = vector.broadcast %jit3A_294 : f32 to vector<512x128xf32>
    %select_n3A_296 = arith.select %ge3A_292, %broadcast_in_dim3A_295, %select_n3A_290 : vector<512x128xi1>, vector<512x128xf32>
    %slice3A_297 = vector.extract_strided_slice %dot_general3A_9 {offsets = [0, 6272], sizes = [512, 128], strides = [1, 1]} : vector<512x8192xf32> to vector<512x128xf32>
    %ge3A_298 = arith.cmpf oge, %slice3A_297, %max3A_293 : vector<512x128xf32>
    %max3A_299 = arith.maximumf %max3A_293, %slice3A_297 : vector<512x128xf32>
    %jit3A_300 = arith.constant 4.900000e+01 : f32
    %broadcast_in_dim3A_301 = vector.broadcast %jit3A_300 : f32 to vector<512x128xf32>
    %select_n3A_302 = arith.select %ge3A_298, %broadcast_in_dim3A_301, %select_n3A_296 : vector<512x128xi1>, vector<512x128xf32>
    %slice3A_303 = vector.extract_strided_slice %dot_general3A_9 {offsets = [0, 6400], sizes = [512, 128], strides = [1, 1]} : vector<512x8192xf32> to vector<512x128xf32>
    %ge3A_304 = arith.cmpf oge, %slice3A_303, %max3A_299 : vector<512x128xf32>
    %max3A_305 = arith.maximumf %max3A_299, %slice3A_303 : vector<512x128xf32>
    %jit3A_306 = arith.constant 5.000000e+01 : f32
    %broadcast_in_dim3A_307 = vector.broadcast %jit3A_306 : f32 to vector<512x128xf32>
    %select_n3A_308 = arith.select %ge3A_304, %broadcast_in_dim3A_307, %select_n3A_302 : vector<512x128xi1>, vector<512x128xf32>
    %slice3A_309 = vector.extract_strided_slice %dot_general3A_9 {offsets = [0, 6528], sizes = [512, 128], strides = [1, 1]} : vector<512x8192xf32> to vector<512x128xf32>
    %ge3A_310 = arith.cmpf oge, %slice3A_309, %max3A_305 : vector<512x128xf32>
    %max3A_311 = arith.maximumf %max3A_305, %slice3A_309 : vector<512x128xf32>
    %jit3A_312 = arith.constant 5.100000e+01 : f32
    %broadcast_in_dim3A_313 = vector.broadcast %jit3A_312 : f32 to vector<512x128xf32>
    %select_n3A_314 = arith.select %ge3A_310, %broadcast_in_dim3A_313, %select_n3A_308 : vector<512x128xi1>, vector<512x128xf32>
    %slice3A_315 = vector.extract_strided_slice %dot_general3A_9 {offsets = [0, 6656], sizes = [512, 128], strides = [1, 1]} : vector<512x8192xf32> to vector<512x128xf32>
    %ge3A_316 = arith.cmpf oge, %slice3A_315, %max3A_311 : vector<512x128xf32>
    %max3A_317 = arith.maximumf %max3A_311, %slice3A_315 : vector<512x128xf32>
    %jit3A_318 = arith.constant 5.200000e+01 : f32
    %broadcast_in_dim3A_319 = vector.broadcast %jit3A_318 : f32 to vector<512x128xf32>
    %select_n3A_320 = arith.select %ge3A_316, %broadcast_in_dim3A_319, %select_n3A_314 : vector<512x128xi1>, vector<512x128xf32>
    %slice3A_321 = vector.extract_strided_slice %dot_general3A_9 {offsets = [0, 6784], sizes = [512, 128], strides = [1, 1]} : vector<512x8192xf32> to vector<512x128xf32>
    %ge3A_322 = arith.cmpf oge, %slice3A_321, %max3A_317 : vector<512x128xf32>
    %max3A_323 = arith.maximumf %max3A_317, %slice3A_321 : vector<512x128xf32>
    %jit3A_324 = arith.constant 5.300000e+01 : f32
    %broadcast_in_dim3A_325 = vector.broadcast %jit3A_324 : f32 to vector<512x128xf32>
    %select_n3A_326 = arith.select %ge3A_322, %broadcast_in_dim3A_325, %select_n3A_320 : vector<512x128xi1>, vector<512x128xf32>
    %slice3A_327 = vector.extract_strided_slice %dot_general3A_9 {offsets = [0, 6912], sizes = [512, 128], strides = [1, 1]} : vector<512x8192xf32> to vector<512x128xf32>
    %ge3A_328 = arith.cmpf oge, %slice3A_327, %max3A_323 : vector<512x128xf32>
    %max3A_329 = arith.maximumf %max3A_323, %slice3A_327 : vector<512x128xf32>
    %jit3A_330 = arith.constant 5.400000e+01 : f32
    %broadcast_in_dim3A_331 = vector.broadcast %jit3A_330 : f32 to vector<512x128xf32>
    %select_n3A_332 = arith.select %ge3A_328, %broadcast_in_dim3A_331, %select_n3A_326 : vector<512x128xi1>, vector<512x128xf32>
    %slice3A_333 = vector.extract_strided_slice %dot_general3A_9 {offsets = [0, 7040], sizes = [512, 128], strides = [1, 1]} : vector<512x8192xf32> to vector<512x128xf32>
    %ge3A_334 = arith.cmpf oge, %slice3A_333, %max3A_329 : vector<512x128xf32>
    %max3A_335 = arith.maximumf %max3A_329, %slice3A_333 : vector<512x128xf32>
    %jit3A_336 = arith.constant 5.500000e+01 : f32
    %broadcast_in_dim3A_337 = vector.broadcast %jit3A_336 : f32 to vector<512x128xf32>
    %select_n3A_338 = arith.select %ge3A_334, %broadcast_in_dim3A_337, %select_n3A_332 : vector<512x128xi1>, vector<512x128xf32>
    %slice3A_339 = vector.extract_strided_slice %dot_general3A_9 {offsets = [0, 7168], sizes = [512, 128], strides = [1, 1]} : vector<512x8192xf32> to vector<512x128xf32>
    %ge3A_340 = arith.cmpf oge, %slice3A_339, %max3A_335 : vector<512x128xf32>
    %max3A_341 = arith.maximumf %max3A_335, %slice3A_339 : vector<512x128xf32>
    %jit3A_342 = arith.constant 5.600000e+01 : f32
    %broadcast_in_dim3A_343 = vector.broadcast %jit3A_342 : f32 to vector<512x128xf32>
    %select_n3A_344 = arith.select %ge3A_340, %broadcast_in_dim3A_343, %select_n3A_338 : vector<512x128xi1>, vector<512x128xf32>
    %slice3A_345 = vector.extract_strided_slice %dot_general3A_9 {offsets = [0, 7296], sizes = [512, 128], strides = [1, 1]} : vector<512x8192xf32> to vector<512x128xf32>
    %ge3A_346 = arith.cmpf oge, %slice3A_345, %max3A_341 : vector<512x128xf32>
    %max3A_347 = arith.maximumf %max3A_341, %slice3A_345 : vector<512x128xf32>
    %jit3A_348 = arith.constant 5.700000e+01 : f32
    %broadcast_in_dim3A_349 = vector.broadcast %jit3A_348 : f32 to vector<512x128xf32>
    %select_n3A_350 = arith.select %ge3A_346, %broadcast_in_dim3A_349, %select_n3A_344 : vector<512x128xi1>, vector<512x128xf32>
    %slice3A_351 = vector.extract_strided_slice %dot_general3A_9 {offsets = [0, 7424], sizes = [512, 128], strides = [1, 1]} : vector<512x8192xf32> to vector<512x128xf32>
    %ge3A_352 = arith.cmpf oge, %slice3A_351, %max3A_347 : vector<512x128xf32>
    %max3A_353 = arith.maximumf %max3A_347, %slice3A_351 : vector<512x128xf32>
    %jit3A_354 = arith.constant 5.800000e+01 : f32
    %broadcast_in_dim3A_355 = vector.broadcast %jit3A_354 : f32 to vector<512x128xf32>
    %select_n3A_356 = arith.select %ge3A_352, %broadcast_in_dim3A_355, %select_n3A_350 : vector<512x128xi1>, vector<512x128xf32>
    %slice3A_357 = vector.extract_strided_slice %dot_general3A_9 {offsets = [0, 7552], sizes = [512, 128], strides = [1, 1]} : vector<512x8192xf32> to vector<512x128xf32>
    %ge3A_358 = arith.cmpf oge, %slice3A_357, %max3A_353 : vector<512x128xf32>
    %max3A_359 = arith.maximumf %max3A_353, %slice3A_357 : vector<512x128xf32>
    %jit3A_360 = arith.constant 5.900000e+01 : f32
    %broadcast_in_dim3A_361 = vector.broadcast %jit3A_360 : f32 to vector<512x128xf32>
    %select_n3A_362 = arith.select %ge3A_358, %broadcast_in_dim3A_361, %select_n3A_356 : vector<512x128xi1>, vector<512x128xf32>
    %slice3A_363 = vector.extract_strided_slice %dot_general3A_9 {offsets = [0, 7680], sizes = [512, 128], strides = [1, 1]} : vector<512x8192xf32> to vector<512x128xf32>
    %ge3A_364 = arith.cmpf oge, %slice3A_363, %max3A_359 : vector<512x128xf32>
    %max3A_365 = arith.maximumf %max3A_359, %slice3A_363 : vector<512x128xf32>
    %jit3A_366 = arith.constant 6.000000e+01 : f32
    %broadcast_in_dim3A_367 = vector.broadcast %jit3A_366 : f32 to vector<512x128xf32>
    %select_n3A_368 = arith.select %ge3A_364, %broadcast_in_dim3A_367, %select_n3A_362 : vector<512x128xi1>, vector<512x128xf32>
    %slice3A_369 = vector.extract_strided_slice %dot_general3A_9 {offsets = [0, 7808], sizes = [512, 128], strides = [1, 1]} : vector<512x8192xf32> to vector<512x128xf32>
    %ge3A_370 = arith.cmpf oge, %slice3A_369, %max3A_365 : vector<512x128xf32>
    %max3A_371 = arith.maximumf %max3A_365, %slice3A_369 : vector<512x128xf32>
    %jit3A_372 = arith.constant 6.100000e+01 : f32
    %broadcast_in_dim3A_373 = vector.broadcast %jit3A_372 : f32 to vector<512x128xf32>
    %select_n3A_374 = arith.select %ge3A_370, %broadcast_in_dim3A_373, %select_n3A_368 : vector<512x128xi1>, vector<512x128xf32>
    %slice3A_375 = vector.extract_strided_slice %dot_general3A_9 {offsets = [0, 7936], sizes = [512, 128], strides = [1, 1]} : vector<512x8192xf32> to vector<512x128xf32>
    %ge3A_376 = arith.cmpf oge, %slice3A_375, %max3A_371 : vector<512x128xf32>
    %max3A_377 = arith.maximumf %max3A_371, %slice3A_375 : vector<512x128xf32>
    %jit3A_378 = arith.constant 6.200000e+01 : f32
    %broadcast_in_dim3A_379 = vector.broadcast %jit3A_378 : f32 to vector<512x128xf32>
    %select_n3A_380 = arith.select %ge3A_376, %broadcast_in_dim3A_379, %select_n3A_374 : vector<512x128xi1>, vector<512x128xf32>
    %slice3A_381 = vector.extract_strided_slice %dot_general3A_9 {offsets = [0, 8064], sizes = [512, 128], strides = [1, 1]} : vector<512x8192xf32> to vector<512x128xf32>
    %ge3A_382 = arith.cmpf oge, %slice3A_381, %max3A_377 : vector<512x128xf32>
    %max3A_383 = arith.maximumf %max3A_377, %slice3A_381 : vector<512x128xf32>
    %jit3A_384 = arith.constant 6.300000e+01 : f32
    %broadcast_in_dim3A_385 = vector.broadcast %jit3A_384 : f32 to vector<512x128xf32>
    %select_n3A_386 = arith.select %ge3A_382, %broadcast_in_dim3A_385, %select_n3A_380 : vector<512x128xi1>, vector<512x128xf32>
    %reduce_max3A = arith.constant dense<0xFF800000> : vector<512xf32>
    %reduce_max3A_387 = vector.multi_reduction <maximumf>, %max3A_383, %reduce_max3A [1] : vector<512x128xf32> to vector<512xf32>
    %broadcast_in_dim3A_388 = vector.shape_cast %reduce_max3A_387 : vector<512xf32> to vector<512x1xf32>
    %iota3A = tpu.iota {dimensions = array<i32: 1>} : vector<512x128xi32>
    %convert_element_type3A_389 = arith.sitofp %iota3A : vector<512x128xi32> to vector<512x128xf32>
    %mul3A_390 = arith.constant 1.280000e+02 : f32
    %mul3A_391 = vector.broadcast %mul3A_390 : f32 to vector<512x128xf32>
    %mul3A_392 = arith.mulf %select_n3A_386, %mul3A_391 : vector<512x128xf32>
    %add3A = arith.addf %mul3A_392, %convert_element_type3A_389 : vector<512x128xf32>
    %eq3A = vector.broadcast %broadcast_in_dim3A_388 : vector<512x1xf32> to vector<512x128xf32>
    %eq3A_393 = arith.cmpf oeq, %max3A_383, %eq3A : vector<512x128xf32>
    %jit3A_394 = arith.constant -1.000000e+00 : f32
    %broadcast_in_dim3A_395 = vector.broadcast %jit3A_394 : f32 to vector<512x128xf32>
    %select_n3A_396 = arith.select %eq3A_393, %add3A, %broadcast_in_dim3A_395 : vector<512x128xi1>, vector<512x128xf32>
    %reduce_max3A_397 = arith.constant dense<0xFF800000> : vector<512xf32>
    %reduce_max3A_398 = vector.multi_reduction <maximumf>, %select_n3A_396, %reduce_max3A_397 [1] : vector<512x128xf32> to vector<512xf32>
    %convert_element_type3A_399 = arith.fptosi %reduce_max3A_398 : vector<512xf32> to vector<512xi32>
    %swap3A = arith.constant 0 : index
    %swap3A_400 = arith.constant 0 : index
    %swap3A_401 = arith.constant 0 : index
    %swap3A_402 = vector.load %arg3[%swap3A, %swap3A_400, %swap3A_401] : memref<1x1x512xi32, #tpu.memory_space<vmem>>, vector<1x1x512xi32>
    %swap3A_403 = vector.shape_cast %swap3A_402 : vector<1x1x512xi32> to vector<512xi32>
    %swap3A_404 = vector.shape_cast %convert_element_type3A_399 : vector<512xi32> to vector<1x1x512xi32>
    tpu.vector_store %arg3[%swap3A, %swap3A_400, %swap3A_401], %swap3A_404 {strides = array<i32>} : memref<1x1x512xi32, #tpu.memory_space<vmem>>, vector<1x1x512xi32>,
    %mul3A_405 = arith.mulf %broadcast_in_dim3A_388, %sqrt3A : vector<512x1xf32>
    %squeeze3A = vector.shape_cast %mul3A_405 : vector<512x1xf32> to vector<512xf32>
    %swap3A_406 = arith.constant 0 : index
    %swap3A_407 = arith.constant 0 : index
    %swap3A_408 = arith.constant 0 : index
    %swap3A_409 = vector.load %arg4[%swap3A_406, %swap3A_407, %swap3A_408] : memref<1x1x512xf32, #tpu.memory_space<vmem>>, vector<1x1x512xf32>
    %swap3A_410 = vector.shape_cast %swap3A_409 : vector<1x1x512xf32> to vector<512xf32>
    %swap3A_411 = vector.shape_cast %squeeze3A : vector<512xf32> to vector<1x1x512xf32>
    tpu.vector_store %arg4[%swap3A_406, %swap3A_407, %swap3A_408], %swap3A_411 {strides = array<i32>} : memref<1x1x512xf32, #tpu.memory_space<vmem>>, vector<1x1x512xf32>,
    %reduce_sum3A_412 = vector.shape_cast %broadcast_in_dim3A : vector<512x1xf32> to vector<1x512x1xf32>
    %reduce_sum3A_413 = arith.constant dense<0.000000e+00> : vector<1xf32>
    %reduce_sum3A_414 = vector.multi_reduction <add>, %reduce_sum3A_412, %reduce_sum3A_413 [1, 2] : vector<1x512x1xf32> to vector<1xf32>
    %reduce_sum3A_415 = vector.shape_cast %reduce_sum3A_414 : vector<1xf32> to vector<1x1x1xf32>
    %reduce_sum3A_416 = vector.extract %reduce_sum3A_415[0, 0, 0] : f32 from vector<1x1x1xf32>
    %eq3A_417 = arith.constant 0 : i32
    %eq3A_418 = arith.cmpi eq, %arg0, %eq3A_417 : i32
    %convert_element_type3A_419 = arith.extui %eq3A_418 : i1 to i32
    %cond3A = arith.constant 0 : i32
    %cond3A_420 = arith.cmpi ne, %convert_element_type3A_419, %cond3A : i32
    scf.if %cond3A_420 {
      %swap3A_430 = arith.constant 0 : index
      %swap3A_431 = memref.load %arg6[%swap3A_430] : memref<1xf32, #tpu.memory_space<smem>>
      memref.store %reduce_sum3A_416, %arg6[%swap3A_430] : memref<1xf32, #tpu.memory_space<smem>>
    } else {
    }
    %gt3A = arith.constant 0 : i32
    %gt3A_421 = arith.cmpi sgt, %arg0, %gt3A : i32
    %convert_element_type3A_422 = arith.extui %gt3A_421 : i1 to i32
    %cond3A_423 = arith.constant 0 : i32
    %cond3A_424 = arith.cmpi ne, %convert_element_type3A_422, %cond3A_423 : i32
    scf.if %cond3A_424 {
      %get3A_430 = arith.constant 0 : index
      %get3A_431 = memref.load %arg6[%get3A_430] : memref<1xf32, #tpu.memory_space<smem>>
      %add3A_432 = arith.addf %get3A_431, %reduce_sum3A_416 : f32
      %swap3A_433 = arith.constant 0 : index
      %swap3A_434 = memref.load %arg6[%swap3A_433] : memref<1xf32, #tpu.memory_space<smem>>
      memref.store %add3A_432, %arg6[%swap3A_433] : memref<1xf32, #tpu.memory_space<smem>>
    } else {
    }
    %eq3A_425 = arith.constant 31 : i32
    %eq3A_426 = arith.cmpi eq, %arg0, %eq3A_425 : i32
    %convert_element_type3A_427 = arith.extui %eq3A_426 : i1 to i32
    %cond3A_428 = arith.constant 0 : i32
    %cond3A_429 = arith.cmpi ne, %convert_element_type3A_427, %cond3A_428 : i32
    scf.if %cond3A_429 {
      %get3A_430 = arith.constant 0 : index
      %get3A_431 = memref.load %arg6[%get3A_430] : memref<1xf32, #tpu.memory_space<smem>>
      %reshape3A = vector.broadcast %get3A_431 : f32 to vector<1x1xf32>
      %swap3A_432 = arith.constant 0 : index
      %swap3A_433 = arith.constant 0 : index
      %swap3A_434 = vector.load %arg5[%swap3A_432, %swap3A_433] : memref<1x1xf32, #tpu.memory_space<vmem>>, vector<1x1xf32>
      tpu.vector_store %arg5[%swap3A_432, %swap3A_433], %reshape3A {strides = array<i32>} : memref<1x1xf32, #tpu.memory_space<vmem>>, vector<1x1xf32>,
    } else {
    }
    return
  }
  func.func @transform_0(%arg0: i32) -> (i32, i32) {
    %c0_i32 = arith.constant 0 : i32
    %c0_i32_0 = arith.constant 0 : i32
    return %arg0, %c0_i32 : i32, i32
  }
  func.func @transform_1(%arg0: i32) -> (i32, i32) {
    %c0_i32 = arith.constant 0 : i32
    %c0_i32_0 = arith.constant 0 : i32
    %c0_i32_1 = arith.constant 0 : i32
    return %c0_i32, %c0_i32_0 : i32, i32
  }
  func.func @transform_2(%arg0: i32) -> (i32, i32, i32) {
    %c0_i32 = arith.constant 0 : i32
    %c0_i32_0 = arith.constant 0 : i32
    %c0_i32_1 = arith.constant 0 : i32
    return %arg0, %c0_i32, %c0_i32_0 : i32, i32, i32
  }
  func.func @transform_3(%arg0: i32) -> (i32, i32, i32) {
    %c0_i32 = arith.constant 0 : i32
    %c0_i32_0 = arith.constant 0 : i32
    %c0_i32_1 = arith.constant 0 : i32
    return %arg0, %c0_i32, %c0_i32_0 : i32, i32, i32
  }
  func.func @transform_4(%arg0: i32) -> (i32, i32) {
    %c0_i32 = arith.constant 0 : i32
    %c0_i32_0 = arith.constant 0 : i32
    %c0_i32_1 = arith.constant 0 : i32
    return %c0_i32, %c0_i32_0 : i32, i32
  }
}

</mosaic_0001>

<sc_bundles>
// kernel: kernel.6.cloned.1.call-start
scs
__scs_entry_jumppad:
0x0: {  	(pc) =	sbr.rel $0x88, $3  }
0x1: {  	(tag) =	ssettag $0x0;
	lr =	simm.s32 $0x1  }
0x2: {  	[smem:$0x3F9F] =	sst lr;
	_ =	strace $0xD0000000  }
0x3: {  	_ = 	snop  }
0x4: {  	_ = 	snop  }
0x5: {  	_ = 	snop  }
0x6: {  	_ = 	snop  }
0x7: {  	_ = 	snop  }
__scs_overlays_trampoline_lowered:
0x8: {  	[smem:$0x3FAE] =	sst s0  }
0x9: {  	[smem:$0x3FAF] =	sst s1  }
0xa: {  	[smem:$0x3FB0] =	sst s2  }
0xb: {  	[smem:$0x3FB1] =	sst s3  }
0xc: {  	[smem:$0x3FB2] =	sst s4  }
0xd: {  	[smem:$0x3FB3] =	sst s5  }
0xe: {  	[smem:$0x3FB4] =	sst s6  }
0xf: {  	[smem:$0x3FB5] =	sst s7  }
0x10: {  	[smem:$0x3FB6] =	sst s8  }
0x11: {  	[smem:$0x3FB7] =	sst s9;
	s0 =	simm.s32 @!p0 $0x0  }
0x12: {  	s1 =	sld [smem:$0x3F9D];
	s0 =	simm.s32 @p0 $0x1  }
0x13: {  	[smem:$0x3FB8] =	sst s0;
	s0 =	simm.s32 @!p1 $0x0  }
0x14: {  	s2 =	sld [smem:$0x3F9C];
	s0 =	simm.s32 @p1 $0x1  }
0x15: {  	[smem:$0x3FB9] =	sst s0;
	s0 =	simm.s32 @!p2 $0x0  }
0x16: {  	s3 =	sld [smem:$0x3FDB];
	s0 =	simm.s32 @p2 $0x1  }
0x17: {  	s4 =	simm.s32 $0x1BF5;
	[smem:$0x3FBB] =	sst s0  }
0x18: {  	s0 =	sld [smem:$0x3F9E];
	_ =	swait.ge [sflag:s4], $0x0  }
0x19: {  	s7 =	sld [smem:$0x3F9F]  }
0x1a: {  	s8 =	sadd.s32 $0xFFFFE003, lr  }
0x1b: {  	s9 =	sadd.s32 $0xFFFFFEF7, lr;
	s5 =	simm.s32 $0xFFFFFFFF;
	p2 =	slt.u32 s8, $0xFFFFF086  }
0x1c: {  	p1 =	slt.u32 s9, $0xF7A;
	s5 =	simm.s32 @!p2 $0x0  }
0x1d: {  	s5 =	simm.s32 @p1 $0x1;
	p0 =	seq.s32 s7, s2  }
0x1e: {  	s7 =	smul.u32 @!p0 $0xF7A, s2;
	p2 =	seq.s32 @!p0 s5, $0x0  }
0x1f: {  	s9 =	smul.u32 $0xF7A, s1;
	s8 =	simm.s32 @!p0 $0x1BF5;
	p2 =	por !p2, p0  }
0x20: {  	[sflag:s8] =	ssyncset.s32 @!p0 $0xFFFFF086;
	s6 =	sadd.s32 @!p0 s3, s7;
	s7 =	simm.s32 @!p0 $0x108  }
0x21: {  	s3 =	sadd.s32 s3, s9;
	s6 =	sadd.s32 @!p0 $0x88, s6;
	s7 =	simm.s32 @p2 $0x1082  }
0x22: {  	[simem:s7], [sflag:s8] =	dma.local @!p0 [hbm:s6], $0xF7A  }
0x23: {  	s9 =	sor.u32 $0xD0000000, s2;
	s6 =	simm.s32 $0x108;
	_ =	swait.ge @!p0 [sflag:s8], $0x0  }
0x24: {  	s3 =	sadd.s32 $0x88, s3;
	s6 =	simm.s32 @!p1 $0x1082;
	[sflag:s4] =	ssyncset.s32 $0xFFFFF086  }
0x25: {  	[simem:s6], [sflag:s4] =	dma.local [hbm:s3], $0xF7A  }
0x26: {  	[smem:$0x3F9F] =	sst s1;
	(tag) =	ssettag s2;
	_ =	strace s9  }
0x27: {  	s1 =	sld [smem:$0x3FAF]  }
0x28: {  	s2 =	sld [smem:$0x3FB0]  }
0x29: {  	s4 =	sld [smem:$0x3FB2]  }
0x2a: {  	p0 =	seq.s32 s5, $0x0;
	s5 =	sld [smem:$0x3FB3]  }
0x2b: {  	s6 =	sld [smem:$0x3FB4]  }
0x2c: {  	s7 =	sld [smem:$0x3FB5]  }
0x2d: {  	s3 =	simm.s32 $0x108;
	s8 =	sld [smem:$0x3FB6]  }
0x2e: {  	s3 =	simm.s32 @!p0 $0x1082;
	s9 =	sld [smem:$0x3FB7]  }
0x2f: {  	lr =	sadd.s32 s0, s3;
	s0 =	sld [smem:$0x3FAE]  }
0x30: {  	s3 =	sld [smem:$0x3FB1]  }
0x31: {  	[smem:$0x3FBA] =	sst s10  }
0x32: {  	s10 =	sld [smem:$0x3FB8];
	_ =	sdelay $0x3  }
0x33: {  	p0 =	seq.s32 s10, $0x1;
	s10 =	sld [smem:$0x3FBA];
	_ =	sdelay $0x3  }
0x34: {  	[smem:$0x3FBA] =	sst s10  }
0x35: {  	s10 =	sld [smem:$0x3FB9];
	_ =	sdelay $0x3  }
0x36: {  	p1 =	seq.s32 s10, $0x1;
	s10 =	sld [smem:$0x3FBA];
	_ =	sdelay $0x3  }
0x37: {  	[smem:$0x3FBA] =	sst s10  }
0x38: {  	s10 =	sld [smem:$0x3FBB]  }
0x39: {  	_ = 	snop;
	(pc) =	sbr.ind lr, $3  }
0x3a: {  	_ = 	snop  }
0x3b: {  	_ = 	snop  }
0x3c: {  	p2 =	seq.s32 s10, $0x1;
	s10 =	sld [smem:$0x3FBA]  }
0x3d: {  	_ =	shalt  }
0x3e: {  	_ =	shalt  }
0x3f: {  	_ =	shalt  }
0x40: {  	_ =	shalt  }
0x41: {  	_ =	shalt  }
0x42: {  	_ =	shalt  }
0x43: {  	_ =	shalt  }
0x44: {  	_ =	shalt  }
0x45: {  	_ =	shalt  }
0x46: {  	_ =	shalt  }
0x47: {  	_ =	shalt  }
0x48: {  	_ =	shalt  }
0x49: {  	_ =	shalt  }
0x4a: {  	_ =	shalt  }
0x4b: {  	_ =	shalt  }
0x4c: {  	_ =	shalt  }
0x4d: {  	_ =	shalt  }
0x4e: {  	_ =	shalt  }
0x4f: {  	_ =	shalt  }
0x50: {  	_ =	shalt  }
0x51: {  	_ =	shalt  }
0x52: {  	_ =	shalt  }
0x53: {  	_ =	shalt  }
0x54: {  	_ =	shalt  }
0x55: {  	_ =	shalt  }
0x56: {  	_ =	shalt  }
0x57: {  	_ =	shalt  }
0x58: {  	_ =	shalt  }
0x59: {  	_ =	shalt  }
0x5a: {  	_ =	shalt  }
0x5b: {  	_ =	shalt  }
0x5c: {  	_ =	shalt  }
0x5d: {  	_ =	shalt  }
0x5e: {  	_ =	shalt  }
0x5f: {  	_ =	shalt  }
0x60: {  	_ =	shalt  }
0x61: {  	_ =	shalt  }
0x62: {  	_ =	shalt  }
0x63: {  	_ =	shalt  }
0x64: {  	_ =	shalt  }
0x65: {  	_ =	shalt  }
0x66: {  	_ =	shalt  }
0x67: {  	_ =	shalt  }
0x68: {  	_ =	shalt  }
0x69: {  	_ =	shalt  }
0x6a: {  	_ =	shalt  }
0x6b: {  	_ =	shalt  }
0x6c: {  	_ =	shalt  }
0x6d: {  	_ =	shalt  }
0x6e: {  	_ =	shalt  }
0x6f: {  	_ =	shalt  }
0x70: {  	_ =	shalt  }
0x71: {  	_ =	shalt  }
0x72: {  	_ =	shalt  }
0x73: {  	_ =	shalt  }
0x74: {  	_ =	shalt  }
0x75: {  	_ =	shalt  }
0x76: {  	_ =	shalt  }
0x77: {  	_ =	shalt  }
0x78: {  	_ =	shalt  }
0x79: {  	_ =	shalt  }
0x7a: {  	_ =	shalt  }
0x7b: {  	_ =	shalt  }
0x7c: {  	_ =	shalt  }
0x7d: {  	_ =	shalt  }
0x7e: {  	_ =	shalt  }
0x7f: {  	_ =	shalt  }
0x80: {  	_ =	shalt  }
0x81: {  	_ =	shalt  }
0x82: {  	_ =	shalt  }
0x83: {  	_ =	shalt  }
0x84: {  	_ =	shalt  }
0x85: {  	_ =	shalt  }
0x86: {  	_ =	shalt  }
0x87: {  	_ =	shalt  }
.Lfunc_end0:
.L_simem_size_0:
called_computation_lowered:
.L_overlay_start_0:
0x88: {  	s2 =	sld [smem:$0x3FD9]  }
0x89: {  	s3 =	sld [smem:$0x3FFE];
	_ =	sdelay $0x1  }
0x8a: {  	s1 =	srdreg.scid  }
0x8b: {  	s0 =	sand.u32 $0x1, s1  }
0x8c: {  	s14 =	sshll.u32 s0, $0xA;
	s2 =	sadd.s32 s3, s2  }
0x8d: {  	s2 =	sadd.s32 s2, s14  }
0x8e: {  	[smem:$0x3FC6] =	sst s2  }
0x8f: {  	_ = 	snop  }
0x90: {  	s2 =	sld [smem:$0x3FD0];
	_ =	sdelay $0x2  }
0x91: {  	s4 =	simm.s32 $0xA;
	s5 =	simm.s32 $0x10;
	s15 =	sld [smem:$0x3FC8]  }
0x92: {  	[smem:s5], [sflag:s4] =	dma.local [hbm:s2], $0x1  }
0x93: {  	_ =	swait.eq [sflag:s4], $0x1  }
0x94: {  	[sflag:s4] =	ssyncset.done $0x0  }
0x95: {  	s16 =	sld [smem:$0x10];
	[sflag:s4] =	ssyncadd.s32 $0xFFFFFFFF  }
0x96: {  	s17 =	sld [smem:$0x13];
	(tm) =	ssettm $0x1  }
0x97: {  	s18 =	sld [smem:$0x3FFB];
	_ =	sdelay $0x3  }
0x98: {  	_ =	strace s18  }
0x99: {  	s5 =	sld [smem:$0x3FFC];
	_ =	sdelay $0x3  }
0x9a: {  	_ =	strace s5  }
0x9b: {  	s5 =	sld [smem:$0x3FFD];
	_ =	sdelay $0x3  }
0x9c: {  	_ =	strace s5  }
0x9d: {  	_ =	strace $0x8FFFFFFF  }
0x9e: {  	s19 =	sld [smem:$0x3FDB];
	_ =	sdelay $0x1  }
0x9f: {  	s6 =	simm.s32 $_scs_section_size  }
0xa0: {  	s7 =	simm.s32 $_size__tile_overlayer_lowered;
	s8 =	simm.s32 $_tile_overlayer_lowered  }
0xa1: {  	s22 =	simm.s32 $0x1BFF;
	s21 =	sshll.u32 s8, $0x1;
	s5 =	sadd.s32 s6, s19  }
0xa2: {  	s9 =	simm.s32 $0x0;
	s20 =	sshll.u32 s7, $0x1;
	s7 =	sadd.s32 s21, s5  }
0xa3: {  	[timem:s9], [sflag:s22] =	dma.local [hbm:s7], s20  }
0xa4: {  	_ =	swait.ge [sflag:s22], s20  }
0xa5: {  	s6 =	ssub.s32 $0x0, s20;
	[sflag:s22] =	ssyncset.done $0x0  }
0xa6: {  	[sflag:s22] =	ssyncadd.s32 s6;
	_ =	sdelay $0x1  }
0xa7: {  	s23 =	simm.s32 $0x1B8B  }
0xa8: {  	_ =	swait.ge [sflag:s23], $0x1  }
0xa9: {  	[sflag:s23] =	ssyncset.done $0x0  }
0xaa: {  	s25 =	simm.s32 $0x1B8E;
	s24 =	sld [smem:$0x3FFE];
	[sflag:s23] =	ssyncadd.s32 $0xFFFFFFFF  }
0xab: {  	s26 =	simm.s32 $execute0_lowered;
	[smem:$0x3FD2] =	sst s25  }
0xac: {  	s7 =	sshll.u32 s26, $0x1;
	_ =	strace $0x80000046;
	[dreg:$0x1] =	wrdreg $0xFFFFFFFF  }
0xad: {  	s28 =	simm.s32 $_size_execute0_lowered;
	s5 =	sadd.s32 s5, s7;
	[dreg:$0x0] =	wrdreg $0x0  }
0xae: {  	s7 =	sshll.u32 s28, $0x1;
	[dreg:$0x2] =	wrdreg s5  }
0xaf: {  	[dreg:$0x3] =	wrdreg s7  }
0xb0: {  	[dreg:$0x4] =	wrdreg $0xC0  }
0xb1: {  	_ =	task [dreg:s9], $0x5FFFF  }
0xb2: {  	[dreg:$0x1] =	wrdreg $0xFFFFFFFF  }
0xb3: {  	[dreg:$0x0] =	wrdreg $0x60  }
0xb4: {  	[dreg:$0x2] =	wrdreg s15  }
0xb5: {  	[dreg:$0x3] =	wrdreg s17  }
0xb6: {  	[dreg:$0x4] =	wrdreg s24  }
0xb7: {  	[dreg:$0x5] =	wrdreg s16  }
0xb8: {  	[dreg:$0x6] =	wrdreg $0x86800  }
0xb9: {  	[dreg:$0x7] =	wrdreg $0x88800  }
0xba: {  	[dreg:$0x8] =	wrdreg $0x9  }
0xbb: {  	_ =	task.clear_ibuf [dreg:s9], $0x9FFFF;
	_ =	strace $0x90000046  }
0xbc: {  	s29 =	simm.s32 $0x9;
	_ =	strace $0x80000048  }
0xbd: {  	_ =	swait.ge [sflag:s29], $0x1  }
0xbe: {  	[sflag:s29] =	ssyncadd.s32 $0xFFFFFFFF  }
0xbf: {  	_ =	strace $0x90000048  }
0xc0: {  	_ =	sfence  }
0xc1: {  	s30 =	sld [smem:$0x0];
	_ =	sdelay $0x2  }
0xc2: {  	s31 =	sshll.u32 s1, $0xD;
	s1 =	sshrl.u32 s1, $0x2  }
0xc3: {  	s3 =	sand.u32 $0x4000, s31;
	s1 =	sadd.s32 s1, s30  }
0xc4: {  	s0 =	sor.u32 s3, s0;
	s1 =	sshll.u32 s1, $0x11  }
0xc5: {  	s0 =	sor.u32 s1, s0  }
0xc6: {  	s0 =	sadd.s32 $0x8F2B, s0  }
0xc7: {  	[sflag:s0] =	ssyncadd.remote.s32 $0x1  }
0xc8: {  	_ =	sfence.sel $0xFFFF  }
0xc9: {  	[dreg:$0x0] =	wrdreg $0xFFFFFFFF;
	(pc) =	sbr.abs _section_cstart, $3  }
0xca: {  	[dreg:$0x1] =	wrdreg $0xFFFFFFFF  }
0xcb: {  	_ =	task.clear_ibuf [dreg:s9], $0x2FFFF;
	_ =	strace $0x9FFFFFFF  }
0xcc: {  	(tm) =	ssettm $0x7FFFFFFF  }
0xcd: {  	_ =	shalt  }
tec
execute0_lowered:
.L_overlay_start_1:
0x0: {  	(tag) =	ssettag $0x1  }
0x1: {  	s0 =	rddreg [dreg:$0x0]  }
0x2: {  	s2 =	rddreg [dreg:$0x1]  }
0x3: {  	s7 =	rddreg [dreg:$0x2]  }
0x4: {  	s1 =	srdreg.scid;
	s5 =	rddreg [dreg:$0x3]  }
0x5: {  	s8 =	stileid.u32;
	s3 =	rddreg [dreg:$0x5]  }
0x6: {  	s24 =	simm.s32 $0x280;
	s25 =	simm.s32 $0x300;
	s6 =	sand.u32 $0x1, s1  }
0x7: {  	s26 =	simm.s32 $0x380;
	s28 =	simm.s32 $0x6C00;
	s9 =	sshll.u32 s6, $0x4  }
0x8: {  	s29 =	simm.s32 $0x7400;
	s30 =	simm.s32 $0x7C00;
	s10 =	sor.u32 s8, s9  }
0x9: {  	s1 =	rddreg [dreg:$0x4];
	s11 =	sshll.u32 s8, $0x9;
	s4 =	sshll.u32 s10, $0x9  }
0xa: {  	s16 =	sadd.s32 s11, s1;
	s12 =	sand.u32 $0x3C00, s4;
	s4 =	simm.s32 $0x0  }
0xb: {  	s17 =	sadd.s32 s11, s3;
	s10 =	sshll.u32 s10, $0xE;
	[smem:$0x7FF] =	sst s4  }
0xc: {  	s5 =	sadd.s32 s5, s10;
	_ =	strace $0x80000047;
	[dreg:$0x9] =	wrdreg s16  }
0xd: {  	s31 =	simm.s32 $0x1;
	s18 =	sadd.s32 $0x1000, s5;
	[dreg:$0xa] =	wrdreg s17  }
0xe: {  	p0 =	sne.s32 s8, $0x0;
	s19 =	sadd.s32 $0x2000, s5;
	[dreg:$0xb] =	wrdreg s18  }
0xf: {  	s13 =	sand.u32 $0x200, s11;
	s6 =	ssub.s32 $0x2, s6;
	[dreg:$0xc] =	wrdreg s19  }
0x10: {  	s22 =	sshrl.u32 s6, $0x1;
	s20 =	sadd.s32 $0x3000, s5;
	[dreg:$0x13] =	wrdreg s5  }
0x11: {  	s6 =	ssub.s32 s6, s22;
	s22 =	simm.s32 $0x4400;
	[dreg:$0xd] =	wrdreg s20  }
0x12: {  	s6 =	smax.u32 s6, $0x1;
	s12 =	sor.u32 s13, s12;
	[dreg:$0x10] =	wrdreg s24  }
0x13: {  	s10 =	simm.s32 $0x80;
	s12 =	sshrl.u32 s12, $0x3;
	[dreg:$0x11] =	wrdreg s25  }
0x14: {  	[dreg:$0x12] =	wrdreg s26;
	s16 =	simm.s32 $0x1400;
	s17 =	simm.s32 $0x1C00  }
0x15: {  	s18 =	simm.s32 $0x2400;
	s19 =	simm.s32 $0x2C00;
	s20 =	simm.s32 $0x3400  }
0x16: {  	s24 =	simm.s32 $0x5400;
	s25 =	simm.s32 $0x5C00;
	s26 =	simm.s32 $0x6400  }
0x17: {  	s14 =	sadd.s32 s12, s7;
	s2 =	sadd.s32 s2, s12;
	s7 =	sadd.s32 s9, s7  }
0x18: {  	[dreg:$0x7] =	wrdreg s2;
	s15 =	sadd.s32 $0x1600, s14;
	s21 =	sadd.s32 $0x1E00, s7  }
0x19: {  	v0 =	vimm.f32 $0.0e+00;
	v4 =	vlaneseq.u32;
	s23 =	sadd.s32 $0x2600, s7;
	s7 =	simm.s32 $0x3;
	[dreg:$0x8] =	wrdreg s15  }
0x1a: {  	v1 =	vimm.f32 $1.000000000e+00;
	vm0 =	vmmov $0xffff;
	v3 =	vshrl.u32 v4, $0x3;
	s14 =	simm.s32 $0x400;
	s2 =	simm.s32 $0x2;
	[dreg:$0xe] =	wrdreg s21  }
0x1b: {  	v2 =	vand.u32 $0x7, v4;
	v4 =	vor.u32 $0x8, v4;
	v3 =	vmul.u32 $0x8, v3;
	[dreg:$0xf] =	wrdreg s23;
	s21 =	simm.s32 $0x3C00;
	s23 =	simm.s32 $0x4C00  }
.LBB2_1:
0x1c: {  	s8 =	rddreg [dreg:$0x7]  }
0x1d: {  	[tilespmem:s4], [sflag:$0x3] =	stream.linear.gather [hbm4b:s8+s4], $0x200, $0x38;
	[tilespmem:$0x8A80] =	vst v63  }
0x1e: {  	_ =	swait.ge [sflag:s7], $0x200  }
0x1f: {  	[sflag:s7] =	ssyncset.done $0x0  }
0x20: {  	s5 =	simm.s32 $0x200;
	s9 =	rddreg [dreg:$0x8];
	[sflag:s7] =	ssyncadd.s32 $0xFFFFFE00  }
0x21: {  	[tilespmem:s5], [sflag:$0x3] =	stream.linear.gather [hbm4b:s9+s4], $0x200, $0x38;
	[tilespmem:$0x8A80] =	vst v63  }
0x22: {  	_ =	swait.ge [sflag:s7], $0x200  }
0x23: {  	[sflag:s7] =	ssyncset.done $0x0  }
0x24: {  	[sflag:s7] =	ssyncadd.s32 $0xFFFFFE00  }
0x25: {  	[tilespmem:$0x8480] =	vst v0  }
0x26: {  	[tilespmem:$0x8490] =	vst v0  }
0x27: {  	[tilespmem:$0x84A0] =	vst v0  }
0x28: {  	[tilespmem:$0x84B0] =	vst v0  }
0x29: {  	[tilespmem:$0x84C0] =	vst v0  }
0x2a: {  	[tilespmem:$0x84D0] =	vst v0  }
0x2b: {  	[tilespmem:$0x84E0] =	vst v0  }
0x2c: {  	[tilespmem:$0x84F0] =	vst v0  }
0x2d: {  	[tilespmem:$0x8500] =	vst v0  }
0x2e: {  	[tilespmem:$0x8510] =	vst v0  }
0x2f: {  	[tilespmem:$0x8520] =	vst v0  }
0x30: {  	[tilespmem:$0x8530] =	vst v0  }
0x31: {  	[tilespmem:$0x8540] =	vst v0  }
0x32: {  	[tilespmem:$0x8550] =	vst v0  }
0x33: {  	[tilespmem:$0x8560] =	vst v0  }
0x34: {  	[tilespmem:$0x8570] =	vst v0  }
0x35: {  	[tilespmem:$0x8580] =	vst v0  }
0x36: {  	[tilespmem:$0x8590] =	vst v0  }
0x37: {  	[tilespmem:$0x85A0] =	vst v0  }
0x38: {  	[tilespmem:$0x85B0] =	vst v0  }
0x39: {  	[tilespmem:$0x85C0] =	vst v0  }
0x3a: {  	[tilespmem:$0x85D0] =	vst v0  }
0x3b: {  	[tilespmem:$0x85E0] =	vst v0  }
0x3c: {  	[tilespmem:$0x85F0] =	vst v0  }
0x3d: {  	[tilespmem:$0x8600] =	vst v0  }
0x3e: {  	[tilespmem:$0x8610] =	vst v0  }
0x3f: {  	[tilespmem:$0x8620] =	vst v0  }
0x40: {  	[tilespmem:$0x8630] =	vst v0  }
0x41: {  	[tilespmem:$0x8640] =	vst v0  }
0x42: {  	[tilespmem:$0x8650] =	vst v0  }
0x43: {  	[tilespmem:$0x8660] =	vst v0  }
0x44: {  	s9 =	simm.s32 $0x8480;
	s11 =	rddreg [dreg:$0x9];
	[tilespmem:$0x8670] =	vst v0  }
0x45: {  	[spmem:s11] =	stream.linear.scatter [tilespmem:s9], [sflag:$0x3], $0x200, $0x38;
	[tilespmem:$0x8A80] =	vst v63  }
0x46: {  	_ =	swait.ge [sflag:s7], $0x200  }
0x47: {  	[sflag:s7] =	ssyncset.done $0x0  }
0x48: {  	s12 =	rddreg [dreg:$0xa];
	[sflag:s7] =	ssyncadd.s32 $0xFFFFFE00  }
0x49: {  	[spmem:s12] =	stream.linear.scatter [tilespmem:s9], [sflag:$0x3], $0x200, $0x38;
	[tilespmem:$0x8A80] =	vst v63  }
0x4a: {  	_ =	swait.ge [sflag:s7], $0x200  }
0x4b: {  	[sflag:s7] =	ssyncset.done $0x0  }
0x4c: {  	[sflag:s7] =	ssyncadd.s32 $0xFFFFFE00  }
0x4d: {  	[tilespmem:$0x8400] =	vst v1  }
0x4e: {  	[tilespmem:$0x8410] =	vst v1  }
0x4f: {  	[tilespmem:$0x8420] =	vst v1  }
0x50: {  	[tilespmem:$0x8430] =	vst v1  }
0x51: {  	[tilespmem:$0x8440] =	vst v1  }
0x52: {  	[tilespmem:$0x8450] =	vst v1  }
0x53: {  	[tilespmem:$0x8460] =	vst v1  }
0x54: {  	[tilespmem:$0x8470] =	vst v1  }
0x55: {  	s13 =	simm.s32 $0x8400;
	[bflag:$0x0] =	sbarrier.arrive $0xFFFF  }
0x56: {  	[spmem:s1] =	stream.indirect.scatter.add.f32 [tilespmem:s13], [sflag:$0x2], $0x1, s4, s10, $0xb8;
	[tilespmem:$0x8A80] =	vst v63  }
0x57: {  	_ = 	snop  }
0x58: {  	[spmem:s1] =	stream.indirect.scatter.add.f32 [tilespmem:s13], [sflag:$0x2], $0x1, s10, s10, $0xb8;
	[tilespmem:$0x8A80] =	vst v63  }
0x59: {  	s11 =	simm.s32 $0x100  }
0x5a: {  	[spmem:s1] =	stream.indirect.scatter.add.f32 [tilespmem:s13], [sflag:$0x2], $0x1, s11, s10, $0xb8;
	[tilespmem:$0x8A80] =	vst v63  }
0x5b: {  	s12 =	simm.s32 $0x180  }
0x5c: {  	[spmem:s1] =	stream.indirect.scatter.add.f32 [tilespmem:s13], [sflag:$0x2], $0x1, s12, s10, $0xb8;
	[tilespmem:$0x8A80] =	vst v63  }
0x5d: {  	_ = 	snop  }
0x5e: {  	[spmem:s3] =	stream.indirect.scatter.add.f32 [tilespmem:s5], [sflag:$0x2], $0x1, s4, s10, $0xb8;
	[tilespmem:$0x8A80] =	vst v63  }
0x5f: {  	s15 =	rddreg [dreg:$0x10]  }
0x60: {  	[spmem:s3] =	stream.indirect.scatter.add.f32 [tilespmem:s15], [sflag:$0x2], $0x1, s10, s10, $0xb8;
	[tilespmem:$0x8A80] =	vst v63  }
0x61: {  	s5 =	rddreg [dreg:$0x11]  }
0x62: {  	[spmem:s3] =	stream.indirect.scatter.add.f32 [tilespmem:s5], [sflag:$0x2], $0x1, s11, s10, $0xb8;
	[tilespmem:$0x8A80] =	vst v63  }
0x63: {  	s13 =	rddreg [dreg:$0x12]  }
0x64: {  	[spmem:s3] =	stream.indirect.scatter.add.f32 [tilespmem:s13], [sflag:$0x2], $0x1, s12, s10, $0xb8;
	[tilespmem:$0x8A80] =	vst v63  }
0x65: {  	v5 =	vld [tilespmem:$0x0];
	_ =	sdelay $0x4  }
0x66: {  	v6 =	vshll.u32 v5, $0x1  }
0x67: {  	v5 =	vand.u32 $0x7, v5;
	v6 =	vand.u32 $0xFFFFFFF0, v6  }
0x68: {  	v5 =	vor.u32 v5, v6  }
0x69: {  	v6 =	vperm.xlane v5, v2;
	_ =	sdelay $0x1  }
0x6a: {  	v5 =	vperm.xlane v5, v4;
	v6 =	vadd.s32 v3, v6;
	_ =	sdelay $0x1  }
0x6b: {  	v5 =	vadd.s32 v3, v5;
	_ =	sdelay $0x2  }
0x6c: {  	[tilespmem:s14], [sflag:$0x1] =	stream.indirect_vreg.gather [hbm4b:s0+s4], $0x80, v6, vm0, $0xb8;
	[tilespmem:$0x8A80] =	vst v63  }
0x6d: {  	s15 =	simm.s32 $0xC00  }
0x6e: {  	[tilespmem:s15], [sflag:$0x1] =	stream.indirect_vreg.gather [hbm4b:s0+s4], $0x80, v5, vm0, $0xb8;
	[tilespmem:$0x8A80] =	vst v63  }
0x6f: {  	v5 =	vld [tilespmem:$0x10];
	_ =	sdelay $0x4  }
0x70: {  	v6 =	vshll.u32 v5, $0x1  }
0x71: {  	v5 =	vand.u32 $0x7, v5;
	v6 =	vand.u32 $0xFFFFFFF0, v6  }
0x72: {  	v5 =	vor.u32 v5, v6  }
0x73: {  	v6 =	vperm.xlane v5, v2;
	_ =	sdelay $0x1  }
0x74: {  	v5 =	vperm.xlane v5, v4;
	v6 =	vadd.s32 v3, v6;
	_ =	sdelay $0x1  }
0x75: {  	v5 =	vadd.s32 v3, v5;
	_ =	sdelay $0x2  }
0x76: {  	[tilespmem:s16], [sflag:$0x1] =	stream.indirect_vreg.gather [hbm4b:s0+s4], $0x80, v6, vm0, $0xb8;
	[tilespmem:$0x8A80] =	vst v63  }
0x77: {  	_ = 	snop  }
0x78: {  	[tilespmem:s17], [sflag:$0x1] =	stream.indirect_vreg.gather [hbm4b:s0+s4], $0x80, v5, vm0, $0xb8;
	[tilespmem:$0x8A80] =	vst v63  }
0x79: {  	v5 =	vld [tilespmem:$0x20];
	_ =	sdelay $0x4  }
0x7a: {  	v6 =	vshll.u32 v5, $0x1  }
0x7b: {  	v5 =	vand.u32 $0x7, v5;
	v6 =	vand.u32 $0xFFFFFFF0, v6  }
0x7c: {  	v5 =	vor.u32 v5, v6  }
0x7d: {  	v6 =	vperm.xlane v5, v2;
	_ =	sdelay $0x1  }
0x7e: {  	v5 =	vperm.xlane v5, v4;
	v6 =	vadd.s32 v3, v6;
	_ =	sdelay $0x1  }
0x7f: {  	v5 =	vadd.s32 v3, v5;
	_ =	sdelay $0x2  }
0x80: {  	[tilespmem:s18], [sflag:$0x1] =	stream.indirect_vreg.gather [hbm4b:s0+s4], $0x80, v6, vm0, $0xb8;
	[tilespmem:$0x8A80] =	vst v63  }
0x81: {  	_ = 	snop  }
0x82: {  	[tilespmem:s19], [sflag:$0x1] =	stream.indirect_vreg.gather [hbm4b:s0+s4], $0x80, v5, vm0, $0xb8;
	[tilespmem:$0x8A80] =	vst v63  }
0x83: {  	v5 =	vld [tilespmem:$0x30];
	_ =	sdelay $0x4  }
0x84: {  	v6 =	vshll.u32 v5, $0x1  }
0x85: {  	v5 =	vand.u32 $0x7, v5;
	v6 =	vand.u32 $0xFFFFFFF0, v6  }
0x86: {  	v5 =	vor.u32 v5, v6  }
0x87: {  	v6 =	vperm.xlane v5, v2;
	_ =	sdelay $0x1  }
0x88: {  	v5 =	vperm.xlane v5, v4;
	v6 =	vadd.s32 v3, v6;
	_ =	sdelay $0x1  }
0x89: {  	v5 =	vadd.s32 v3, v5;
	_ =	sdelay $0x2  }
0x8a: {  	[tilespmem:s20], [sflag:$0x1] =	stream.indirect_vreg.gather [hbm4b:s0+s4], $0x80, v6, vm0, $0xb8;
	[tilespmem:$0x8A80] =	vst v63  }
0x8b: {  	_ = 	snop  }
0x8c: {  	[tilespmem:s21], [sflag:$0x1] =	stream.indirect_vreg.gather [hbm4b:s0+s4], $0x80, v5, vm0, $0xb8;
	[tilespmem:$0x8A80] =	vst v63  }
0x8d: {  	v5 =	vld [tilespmem:$0x40];
	_ =	sdelay $0x4  }
0x8e: {  	v6 =	vshll.u32 v5, $0x1  }
0x8f: {  	v5 =	vand.u32 $0x7, v5;
	v6 =	vand.u32 $0xFFFFFFF0, v6  }
0x90: {  	v5 =	vor.u32 v5, v6  }
0x91: {  	v6 =	vperm.xlane v5, v2;
	_ =	sdelay $0x1  }
0x92: {  	v5 =	vperm.xlane v5, v4;
	v6 =	vadd.s32 v3, v6;
	_ =	sdelay $0x1  }
0x93: {  	v5 =	vadd.s32 v3, v5;
	_ =	sdelay $0x2  }
0x94: {  	[tilespmem:s22], [sflag:$0x1] =	stream.indirect_vreg.gather [hbm4b:s0+s4], $0x80, v6, vm0, $0xb8;
	[tilespmem:$0x8A80] =	vst v63  }
0x95: {  	_ = 	snop  }
0x96: {  	[tilespmem:s23], [sflag:$0x1] =	stream.indirect_vreg.gather [hbm4b:s0+s4], $0x80, v5, vm0, $0xb8;
	[tilespmem:$0x8A80] =	vst v63  }
0x97: {  	v5 =	vld [tilespmem:$0x50];
	_ =	sdelay $0x4  }
0x98: {  	v6 =	vshll.u32 v5, $0x1  }
0x99: {  	v5 =	vand.u32 $0x7, v5;
	v6 =	vand.u32 $0xFFFFFFF0, v6  }
0x9a: {  	v5 =	vor.u32 v5, v6  }
0x9b: {  	v6 =	vperm.xlane v5, v2;
	_ =	sdelay $0x1  }
0x9c: {  	v5 =	vperm.xlane v5, v4;
	v6 =	vadd.s32 v3, v6;
	_ =	sdelay $0x1  }
0x9d: {  	v5 =	vadd.s32 v3, v5;
	_ =	sdelay $0x2  }
0x9e: {  	[tilespmem:s24], [sflag:$0x1] =	stream.indirect_vreg.gather [hbm4b:s0+s4], $0x80, v6, vm0, $0xb8;
	[tilespmem:$0x8A80] =	vst v63  }
0x9f: {  	_ = 	snop  }
0xa0: {  	[tilespmem:s25], [sflag:$0x1] =	stream.indirect_vreg.gather [hbm4b:s0+s4], $0x80, v5, vm0, $0xb8;
	[tilespmem:$0x8A80] =	vst v63  }
0xa1: {  	v5 =	vld [tilespmem:$0x60];
	_ =	sdelay $0x4  }
0xa2: {  	v6 =	vshll.u32 v5, $0x1  }
0xa3: {  	v5 =	vand.u32 $0x7, v5;
	v6 =	vand.u32 $0xFFFFFFF0, v6  }
0xa4: {  	v5 =	vor.u32 v5, v6  }
0xa5: {  	v6 =	vperm.xlane v5, v2;
	_ =	sdelay $0x1  }
0xa6: {  	v5 =	vperm.xlane v5, v4;
	v6 =	vadd.s32 v3, v6;
	_ =	sdelay $0x1  }
0xa7: {  	v5 =	vadd.s32 v3, v5;
	_ =	sdelay $0x2  }
0xa8: {  	[tilespmem:s26], [sflag:$0x1] =	stream.indirect_vreg.gather [hbm4b:s0+s4], $0x80, v6, vm0, $0xb8;
	[tilespmem:$0x8A80] =	vst v63  }
0xa9: {  	_ = 	snop  }
0xaa: {  	[tilespmem:s28], [sflag:$0x1] =	stream.indirect_vreg.gather [hbm4b:s0+s4], $0x80, v5, vm0, $0xb8;
	[tilespmem:$0x8A80] =	vst v63  }
0xab: {  	v5 =	vld [tilespmem:$0x70];
	_ =	sdelay $0x4  }
0xac: {  	v6 =	vshll.u32 v5, $0x1  }
0xad: {  	v5 =	vand.u32 $0x7, v5;
	v6 =	vand.u32 $0xFFFFFFF0, v6  }
0xae: {  	v5 =	vor.u32 v5, v6  }
0xaf: {  	v6 =	vperm.xlane v5, v2;
	_ =	sdelay $0x1  }
0xb0: {  	v5 =	vperm.xlane v5, v4;
	v6 =	vadd.s32 v3, v6;
	_ =	sdelay $0x1  }
0xb1: {  	v5 =	vadd.s32 v3, v5;
	_ =	sdelay $0x2  }
0xb2: {  	[tilespmem:s29], [sflag:$0x1] =	stream.indirect_vreg.gather [hbm4b:s0+s4], $0x80, v6, vm0, $0xb8;
	[tilespmem:$0x8A80] =	vst v63  }
0xb3: {  	_ = 	snop  }
0xb4: {  	[tilespmem:s30], [sflag:$0x1] =	stream.indirect_vreg.gather [hbm4b:s0+s4], $0x80, v5, vm0, $0xb8;
	[tilespmem:$0x8A80] =	vst v63  }
0xb5: {  	_ =	swait.ge [sflag:s31], $0x8000  }
0xb6: {  	[sflag:s31] =	ssyncset.done $0x0  }
0xb7: {  	s11 =	rddreg [dreg:$0x13];
	[sflag:s31] =	ssyncadd.s32 $0xFFFF8000  }
0xb8: {  	[hbm4b:s11+s4] =	stream.linear.scatter [tilespmem:s14], [sflag:$0x3], $0x8000, $0x38;
	[tilespmem:$0x8A80] =	vst v63  }
0xb9: {  	_ =	swait.ge [sflag:s7], $0x8000  }
0xba: {  	[sflag:s7] =	ssyncset.done $0x0  }
0xbb: {  	[sflag:s7] =	ssyncadd.s32 $0xFFFF8000  }
0xbc: {  	v5 =	vld [tilespmem:$0x80];
	_ =	sdelay $0x4  }
0xbd: {  	v6 =	vshll.u32 v5, $0x1  }
0xbe: {  	v5 =	vand.u32 $0x7, v5;
	v6 =	vand.u32 $0xFFFFFFF0, v6  }
0xbf: {  	v5 =	vor.u32 v5, v6  }
0xc0: {  	v6 =	vperm.xlane v5, v2;
	_ =	sdelay $0x1  }
0xc1: {  	v5 =	vperm.xlane v5, v4;
	v6 =	vadd.s32 v3, v6;
	_ =	sdelay $0x1  }
0xc2: {  	v5 =	vadd.s32 v3, v5;
	_ =	sdelay $0x2  }
0xc3: {  	[tilespmem:s14], [sflag:$0x1] =	stream.indirect_vreg.gather [hbm4b:s0+s4], $0x80, v6, vm0, $0xb8;
	[tilespmem:$0x8A80] =	vst v63  }
0xc4: {  	_ = 	snop  }
0xc5: {  	[tilespmem:s15], [sflag:$0x1] =	stream.indirect_vreg.gather [hbm4b:s0+s4], $0x80, v5, vm0, $0xb8;
	[tilespmem:$0x8A80] =	vst v63  }
0xc6: {  	v5 =	vld [tilespmem:$0x90];
	_ =	sdelay $0x4  }
0xc7: {  	v6 =	vshll.u32 v5, $0x1  }
0xc8: {  	v5 =	vand.u32 $0x7, v5;
	v6 =	vand.u32 $0xFFFFFFF0, v6  }
0xc9: {  	v5 =	vor.u32 v5, v6  }
0xca: {  	v6 =	vperm.xlane v5, v2;
	_ =	sdelay $0x1  }
0xcb: {  	v5 =	vperm.xlane v5, v4;
	v6 =	vadd.s32 v3, v6;
	_ =	sdelay $0x1  }
0xcc: {  	v5 =	vadd.s32 v3, v5;
	_ =	sdelay $0x2  }
0xcd: {  	[tilespmem:s16], [sflag:$0x1] =	stream.indirect_vreg.gather [hbm4b:s0+s4], $0x80, v6, vm0, $0xb8;
	[tilespmem:$0x8A80] =	vst v63  }
0xce: {  	_ = 	snop  }
0xcf: {  	[tilespmem:s17], [sflag:$0x1] =	stream.indirect_vreg.gather [hbm4b:s0+s4], $0x80, v5, vm0, $0xb8;
	[tilespmem:$0x8A80] =	vst v63  }
0xd0: {  	v5 =	vld [tilespmem:$0xA0];
	_ =	sdelay $0x4  }
0xd1: {  	v6 =	vshll.u32 v5, $0x1  }
0xd2: {  	v5 =	vand.u32 $0x7, v5;
	v6 =	vand.u32 $0xFFFFFFF0, v6  }
0xd3: {  	v5 =	vor.u32 v5, v6  }
0xd4: {  	v6 =	vperm.xlane v5, v2;
	_ =	sdelay $0x1  }
0xd5: {  	v5 =	vperm.xlane v5, v4;
	v6 =	vadd.s32 v3, v6;
	_ =	sdelay $0x1  }
0xd6: {  	v5 =	vadd.s32 v3, v5;
	_ =	sdelay $0x2  }
0xd7: {  	[tilespmem:s18], [sflag:$0x1] =	stream.indirect_vreg.gather [hbm4b:s0+s4], $0x80, v6, vm0, $0xb8;
	[tilespmem:$0x8A80] =	vst v63  }
0xd8: {  	_ = 	snop  }
0xd9: {  	[tilespmem:s19], [sflag:$0x1] =	stream.indirect_vreg.gather [hbm4b:s0+s4], $0x80, v5, vm0, $0xb8;
	[tilespmem:$0x8A80] =	vst v63  }
0xda: {  	v5 =	vld [tilespmem:$0xB0];
	_ =	sdelay $0x4  }
0xdb: {  	v6 =	vshll.u32 v5, $0x1  }
0xdc: {  	v5 =	vand.u32 $0x7, v5;
	v6 =	vand.u32 $0xFFFFFFF0, v6  }
0xdd: {  	v5 =	vor.u32 v5, v6  }
0xde: {  	v6 =	vperm.xlane v5, v2;
	_ =	sdelay $0x1  }
0xdf: {  	v5 =	vperm.xlane v5, v4;
	v6 =	vadd.s32 v3, v6;
	_ =	sdelay $0x1  }
0xe0: {  	v5 =	vadd.s32 v3, v5;
	_ =	sdelay $0x2  }
0xe1: {  	[tilespmem:s20], [sflag:$0x1] =	stream.indirect_vreg.gather [hbm4b:s0+s4], $0x80, v6, vm0, $0xb8;
	[tilespmem:$0x8A80] =	vst v63  }
0xe2: {  	_ = 	snop  }
0xe3: {  	[tilespmem:s21], [sflag:$0x1] =	stream.indirect_vreg.gather [hbm4b:s0+s4], $0x80, v5, vm0, $0xb8;
	[tilespmem:$0x8A80] =	vst v63  }
0xe4: {  	v5 =	vld [tilespmem:$0xC0];
	_ =	sdelay $0x4  }
0xe5: {  	v6 =	vshll.u32 v5, $0x1  }
0xe6: {  	v5 =	vand.u32 $0x7, v5;
	v6 =	vand.u32 $0xFFFFFFF0, v6  }
0xe7: {  	v5 =	vor.u32 v5, v6  }
0xe8: {  	v6 =	vperm.xlane v5, v2;
	_ =	sdelay $0x1  }
0xe9: {  	v5 =	vperm.xlane v5, v4;
	v6 =	vadd.s32 v3, v6;
	_ =	sdelay $0x1  }
0xea: {  	v5 =	vadd.s32 v3, v5;
	_ =	sdelay $0x2  }
0xeb: {  	[tilespmem:s22], [sflag:$0x1] =	stream.indirect_vreg.gather [hbm4b:s0+s4], $0x80, v6, vm0, $0xb8;
	[tilespmem:$0x8A80] =	vst v63  }
0xec: {  	_ = 	snop  }
0xed: {  	[tilespmem:s23], [sflag:$0x1] =	stream.indirect_vreg.gather [hbm4b:s0+s4], $0x80, v5, vm0, $0xb8;
	[tilespmem:$0x8A80] =	vst v63  }
0xee: {  	v5 =	vld [tilespmem:$0xD0];
	_ =	sdelay $0x4  }
0xef: {  	v6 =	vshll.u32 v5, $0x1  }
0xf0: {  	v5 =	vand.u32 $0x7, v5;
	v6 =	vand.u32 $0xFFFFFFF0, v6  }
0xf1: {  	v5 =	vor.u32 v5, v6  }
0xf2: {  	v6 =	vperm.xlane v5, v2;
	_ =	sdelay $0x1  }
0xf3: {  	v5 =	vperm.xlane v5, v4;
	v6 =	vadd.s32 v3, v6;
	_ =	sdelay $0x1  }
0xf4: {  	v5 =	vadd.s32 v3, v5;
	_ =	sdelay $0x2  }
0xf5: {  	[tilespmem:s24], [sflag:$0x1] =	stream.indirect_vreg.gather [hbm4b:s0+s4], $0x80, v6, vm0, $0xb8;
	[tilespmem:$0x8A80] =	vst v63  }
0xf6: {  	_ = 	snop  }
0xf7: {  	[tilespmem:s25], [sflag:$0x1] =	stream.indirect_vreg.gather [hbm4b:s0+s4], $0x80, v5, vm0, $0xb8;
	[tilespmem:$0x8A80] =	vst v63  }
0xf8: {  	v5 =	vld [tilespmem:$0xE0];
	_ =	sdelay $0x4  }
0xf9: {  	v6 =	vshll.u32 v5, $0x1  }
0xfa: {  	v5 =	vand.u32 $0x7, v5;
	v6 =	vand.u32 $0xFFFFFFF0, v6  }
0xfb: {  	v5 =	vor.u32 v5, v6  }
0xfc: {  	v6 =	vperm.xlane v5, v2;
	_ =	sdelay $0x1  }
0xfd: {  	v5 =	vperm.xlane v5, v4;
	v6 =	vadd.s32 v3, v6;
	_ =	sdelay $0x1  }
0xfe: {  	v5 =	vadd.s32 v3, v5;
	_ =	sdelay $0x2  }
0xff: {  	[tilespmem:s26], [sflag:$0x1] =	stream.indirect_vreg.gather [hbm4b:s0+s4], $0x80, v6, vm0, $0xb8;
	[tilespmem:$0x8A80] =	vst v63  }
0x100: {  	_ = 	snop  }
0x101: {  	[tilespmem:s28], [sflag:$0x1] =	stream.indirect_vreg.gather [hbm4b:s0+s4], $0x80, v5, vm0, $0xb8;
	[tilespmem:$0x8A80] =	vst v63  }
0x102: {  	v5 =	vld [tilespmem:$0xF0];
	_ =	sdelay $0x4  }
0x103: {  	v6 =	vshll.u32 v5, $0x1  }
0x104: {  	v5 =	vand.u32 $0x7, v5;
	v6 =	vand.u32 $0xFFFFFFF0, v6  }
0x105: {  	v5 =	vor.u32 v5, v6  }
0x106: {  	v6 =	vperm.xlane v5, v2;
	_ =	sdelay $0x1  }
0x107: {  	v5 =	vperm.xlane v5, v4;
	v6 =	vadd.s32 v3, v6;
	_ =	sdelay $0x1  }
0x108: {  	v5 =	vadd.s32 v3, v5;
	_ =	sdelay $0x2  }
0x109: {  	[tilespmem:s29], [sflag:$0x1] =	stream.indirect_vreg.gather [hbm4b:s0+s4], $0x80, v6, vm0, $0xb8;
	[tilespmem:$0x8A80] =	vst v63  }
0x10a: {  	_ = 	snop  }
0x10b: {  	[tilespmem:s30], [sflag:$0x1] =	stream.indirect_vreg.gather [hbm4b:s0+s4], $0x80, v5, vm0, $0xb8;
	[tilespmem:$0x8A80] =	vst v63  }
0x10c: {  	_ =	swait.ge [sflag:s31], $0x8000  }
0x10d: {  	[sflag:s31] =	ssyncset.done $0x0  }
0x10e: {  	s12 =	rddreg [dreg:$0xb];
	[sflag:s31] =	ssyncadd.s32 $0xFFFF8000  }
0x10f: {  	[hbm4b:s12+s4] =	stream.linear.scatter [tilespmem:s14], [sflag:$0x3], $0x8000, $0x38;
	[tilespmem:$0x8A80] =	vst v63  }
0x110: {  	_ =	swait.ge [sflag:s7], $0x8000  }
0x111: {  	[sflag:s7] =	ssyncset.done $0x0  }
0x112: {  	[sflag:s7] =	ssyncadd.s32 $0xFFFF8000  }
0x113: {  	v5 =	vld [tilespmem:$0x100];
	_ =	sdelay $0x4  }
0x114: {  	v6 =	vshll.u32 v5, $0x1  }
0x115: {  	v5 =	vand.u32 $0x7, v5;
	v6 =	vand.u32 $0xFFFFFFF0, v6  }
0x116: {  	v5 =	vor.u32 v5, v6  }
0x117: {  	v6 =	vperm.xlane v5, v2;
	_ =	sdelay $0x1  }
0x118: {  	v5 =	vperm.xlane v5, v4;
	v6 =	vadd.s32 v3, v6;
	_ =	sdelay $0x1  }
0x119: {  	v5 =	vadd.s32 v3, v5;
	_ =	sdelay $0x2  }
0x11a: {  	[tilespmem:s14], [sflag:$0x1] =	stream.indirect_vreg.gather [hbm4b:s0+s4], $0x80, v6, vm0, $0xb8;
	[tilespmem:$0x8A80] =	vst v63  }
0x11b: {  	_ = 	snop  }
0x11c: {  	[tilespmem:s15], [sflag:$0x1] =	stream.indirect_vreg.gather [hbm4b:s0+s4], $0x80, v5, vm0, $0xb8;
	[tilespmem:$0x8A80] =	vst v63  }
0x11d: {  	v5 =	vld [tilespmem:$0x110];
	_ =	sdelay $0x4  }
0x11e: {  	v6 =	vshll.u32 v5, $0x1  }
0x11f: {  	v5 =	vand.u32 $0x7, v5;
	v6 =	vand.u32 $0xFFFFFFF0, v6  }
0x120: {  	v5 =	vor.u32 v5, v6  }
0x121: {  	v6 =	vperm.xlane v5, v2;
	_ =	sdelay $0x1  }
0x122: {  	v5 =	vperm.xlane v5, v4;
	v6 =	vadd.s32 v3, v6;
	_ =	sdelay $0x1  }
0x123: {  	v5 =	vadd.s32 v3, v5;
	_ =	sdelay $0x2  }
0x124: {  	[tilespmem:s16], [sflag:$0x1] =	stream.indirect_vreg.gather [hbm4b:s0+s4], $0x80, v6, vm0, $0xb8;
	[tilespmem:$0x8A80] =	vst v63  }
0x125: {  	_ = 	snop  }
0x126: {  	[tilespmem:s17], [sflag:$0x1] =	stream.indirect_vreg.gather [hbm4b:s0+s4], $0x80, v5, vm0, $0xb8;
	[tilespmem:$0x8A80] =	vst v63  }
0x127: {  	v5 =	vld [tilespmem:$0x120];
	_ =	sdelay $0x4  }
0x128: {  	v6 =	vshll.u32 v5, $0x1  }
0x129: {  	v5 =	vand.u32 $0x7, v5;
	v6 =	vand.u32 $0xFFFFFFF0, v6  }
0x12a: {  	v5 =	vor.u32 v5, v6  }
0x12b: {  	v6 =	vperm.xlane v5, v2;
	_ =	sdelay $0x1  }
0x12c: {  	v5 =	vperm.xlane v5, v4;
	v6 =	vadd.s32 v3, v6;
	_ =	sdelay $0x1  }
0x12d: {  	v5 =	vadd.s32 v3, v5;
	_ =	sdelay $0x2  }
0x12e: {  	[tilespmem:s18], [sflag:$0x1] =	stream.indirect_vreg.gather [hbm4b:s0+s4], $0x80, v6, vm0, $0xb8;
	[tilespmem:$0x8A80] =	vst v63  }
0x12f: {  	_ = 	snop  }
0x130: {  	[tilespmem:s19], [sflag:$0x1] =	stream.indirect_vreg.gather [hbm4b:s0+s4], $0x80, v5, vm0, $0xb8;
	[tilespmem:$0x8A80] =	vst v63  }
0x131: {  	v5 =	vld [tilespmem:$0x130];
	_ =	sdelay $0x4  }
0x132: {  	v6 =	vshll.u32 v5, $0x1  }
0x133: {  	v5 =	vand.u32 $0x7, v5;
	v6 =	vand.u32 $0xFFFFFFF0, v6  }
0x134: {  	v5 =	vor.u32 v5, v6  }
0x135: {  	v6 =	vperm.xlane v5, v2;
	_ =	sdelay $0x1  }
0x136: {  	v5 =	vperm.xlane v5, v4;
	v6 =	vadd.s32 v3, v6;
	_ =	sdelay $0x1  }
0x137: {  	v5 =	vadd.s32 v3, v5;
	_ =	sdelay $0x2  }
0x138: {  	[tilespmem:s20], [sflag:$0x1] =	stream.indirect_vreg.gather [hbm4b:s0+s4], $0x80, v6, vm0, $0xb8;
	[tilespmem:$0x8A80] =	vst v63  }
0x139: {  	_ = 	snop  }
0x13a: {  	[tilespmem:s21], [sflag:$0x1] =	stream.indirect_vreg.gather [hbm4b:s0+s4], $0x80, v5, vm0, $0xb8;
	[tilespmem:$0x8A80] =	vst v63  }
0x13b: {  	v5 =	vld [tilespmem:$0x140];
	_ =	sdelay $0x4  }
0x13c: {  	v6 =	vshll.u32 v5, $0x1  }
0x13d: {  	v5 =	vand.u32 $0x7, v5;
	v6 =	vand.u32 $0xFFFFFFF0, v6  }
0x13e: {  	v5 =	vor.u32 v5, v6  }
0x13f: {  	v6 =	vperm.xlane v5, v2;
	_ =	sdelay $0x1  }
0x140: {  	v5 =	vperm.xlane v5, v4;
	v6 =	vadd.s32 v3, v6;
	_ =	sdelay $0x1  }
0x141: {  	v5 =	vadd.s32 v3, v5;
	_ =	sdelay $0x2  }
0x142: {  	[tilespmem:s22], [sflag:$0x1] =	stream.indirect_vreg.gather [hbm4b:s0+s4], $0x80, v6, vm0, $0xb8;
	[tilespmem:$0x8A80] =	vst v63  }
0x143: {  	_ = 	snop  }
0x144: {  	[tilespmem:s23], [sflag:$0x1] =	stream.indirect_vreg.gather [hbm4b:s0+s4], $0x80, v5, vm0, $0xb8;
	[tilespmem:$0x8A80] =	vst v63  }
0x145: {  	v5 =	vld [tilespmem:$0x150];
	_ =	sdelay $0x4  }
0x146: {  	v6 =	vshll.u32 v5, $0x1  }
0x147: {  	v5 =	vand.u32 $0x7, v5;
	v6 =	vand.u32 $0xFFFFFFF0, v6  }
0x148: {  	v5 =	vor.u32 v5, v6  }
0x149: {  	v6 =	vperm.xlane v5, v2;
	_ =	sdelay $0x1  }
0x14a: {  	v5 =	vperm.xlane v5, v4;
	v6 =	vadd.s32 v3, v6;
	_ =	sdelay $0x1  }
0x14b: {  	v5 =	vadd.s32 v3, v5;
	_ =	sdelay $0x2  }
0x14c: {  	[tilespmem:s24], [sflag:$0x1] =	stream.indirect_vreg.gather [hbm4b:s0+s4], $0x80, v6, vm0, $0xb8;
	[tilespmem:$0x8A80] =	vst v63  }
0x14d: {  	_ = 	snop  }
0x14e: {  	[tilespmem:s25], [sflag:$0x1] =	stream.indirect_vreg.gather [hbm4b:s0+s4], $0x80, v5, vm0, $0xb8;
	[tilespmem:$0x8A80] =	vst v63  }
0x14f: {  	v5 =	vld [tilespmem:$0x160];
	_ =	sdelay $0x4  }
0x150: {  	v6 =	vshll.u32 v5, $0x1  }
0x151: {  	v5 =	vand.u32 $0x7, v5;
	v6 =	vand.u32 $0xFFFFFFF0, v6  }
0x152: {  	v5 =	vor.u32 v5, v6  }
0x153: {  	v6 =	vperm.xlane v5, v2;
	_ =	sdelay $0x1  }
0x154: {  	v5 =	vperm.xlane v5, v4;
	v6 =	vadd.s32 v3, v6;
	_ =	sdelay $0x1  }
0x155: {  	v5 =	vadd.s32 v3, v5;
	_ =	sdelay $0x2  }
0x156: {  	[tilespmem:s26], [sflag:$0x1] =	stream.indirect_vreg.gather [hbm4b:s0+s4], $0x80, v6, vm0, $0xb8;
	[tilespmem:$0x8A80] =	vst v63  }
0x157: {  	_ = 	snop  }
0x158: {  	[tilespmem:s28], [sflag:$0x1] =	stream.indirect_vreg.gather [hbm4b:s0+s4], $0x80, v5, vm0, $0xb8;
	[tilespmem:$0x8A80] =	vst v63  }
0x159: {  	v5 =	vld [tilespmem:$0x170];
	_ =	sdelay $0x4  }
0x15a: {  	v6 =	vshll.u32 v5, $0x1  }
0x15b: {  	v5 =	vand.u32 $0x7, v5;
	v6 =	vand.u32 $0xFFFFFFF0, v6  }
0x15c: {  	v5 =	vor.u32 v5, v6  }
0x15d: {  	v6 =	vperm.xlane v5, v2;
	_ =	sdelay $0x1  }
0x15e: {  	v5 =	vperm.xlane v5, v4;
	v6 =	vadd.s32 v3, v6;
	_ =	sdelay $0x1  }
0x15f: {  	v5 =	vadd.s32 v3, v5;
	_ =	sdelay $0x2  }
0x160: {  	[tilespmem:s29], [sflag:$0x1] =	stream.indirect_vreg.gather [hbm4b:s0+s4], $0x80, v6, vm0, $0xb8;
	[tilespmem:$0x8A80] =	vst v63  }
0x161: {  	_ = 	snop  }
0x162: {  	[tilespmem:s30], [sflag:$0x1] =	stream.indirect_vreg.gather [hbm4b:s0+s4], $0x80, v5, vm0, $0xb8;
	[tilespmem:$0x8A80] =	vst v63  }
0x163: {  	_ =	swait.ge [sflag:s31], $0x8000  }
0x164: {  	[sflag:s31] =	ssyncset.done $0x0  }
0x165: {  	s13 =	rddreg [dreg:$0xc];
	[sflag:s31] =	ssyncadd.s32 $0xFFFF8000  }
0x166: {  	[hbm4b:s13+s4] =	stream.linear.scatter [tilespmem:s14], [sflag:$0x3], $0x8000, $0x38;
	[tilespmem:$0x8A80] =	vst v63  }
0x167: {  	_ =	swait.ge [sflag:s7], $0x8000  }
0x168: {  	[sflag:s7] =	ssyncset.done $0x0  }
0x169: {  	[sflag:s7] =	ssyncadd.s32 $0xFFFF8000  }
0x16a: {  	v5 =	vld [tilespmem:$0x180];
	_ =	sdelay $0x4  }
0x16b: {  	v6 =	vshll.u32 v5, $0x1  }
0x16c: {  	v5 =	vand.u32 $0x7, v5;
	v6 =	vand.u32 $0xFFFFFFF0, v6  }
0x16d: {  	v5 =	vor.u32 v5, v6  }
0x16e: {  	v6 =	vperm.xlane v5, v2;
	_ =	sdelay $0x1  }
0x16f: {  	v5 =	vperm.xlane v5, v4;
	v6 =	vadd.s32 v3, v6;
	_ =	sdelay $0x1  }
0x170: {  	v5 =	vadd.s32 v3, v5;
	_ =	sdelay $0x2  }
0x171: {  	[tilespmem:s14], [sflag:$0x1] =	stream.indirect_vreg.gather [hbm4b:s0+s4], $0x80, v6, vm0, $0xb8;
	[tilespmem:$0x8A80] =	vst v63  }
0x172: {  	_ = 	snop  }
0x173: {  	[tilespmem:s15], [sflag:$0x1] =	stream.indirect_vreg.gather [hbm4b:s0+s4], $0x80, v5, vm0, $0xb8;
	[tilespmem:$0x8A80] =	vst v63  }
0x174: {  	v5 =	vld [tilespmem:$0x190];
	_ =	sdelay $0x4  }
0x175: {  	v6 =	vshll.u32 v5, $0x1  }
0x176: {  	v5 =	vand.u32 $0x7, v5;
	v6 =	vand.u32 $0xFFFFFFF0, v6  }
0x177: {  	v5 =	vor.u32 v5, v6  }
0x178: {  	v6 =	vperm.xlane v5, v2;
	_ =	sdelay $0x1  }
0x179: {  	v5 =	vperm.xlane v5, v4;
	v6 =	vadd.s32 v3, v6;
	_ =	sdelay $0x1  }
0x17a: {  	v5 =	vadd.s32 v3, v5;
	_ =	sdelay $0x2  }
0x17b: {  	[tilespmem:s16], [sflag:$0x1] =	stream.indirect_vreg.gather [hbm4b:s0+s4], $0x80, v6, vm0, $0xb8;
	[tilespmem:$0x8A80] =	vst v63  }
0x17c: {  	_ = 	snop  }
0x17d: {  	[tilespmem:s17], [sflag:$0x1] =	stream.indirect_vreg.gather [hbm4b:s0+s4], $0x80, v5, vm0, $0xb8;
	[tilespmem:$0x8A80] =	vst v63  }
0x17e: {  	v5 =	vld [tilespmem:$0x1A0];
	_ =	sdelay $0x4  }
0x17f: {  	v6 =	vshll.u32 v5, $0x1  }
0x180: {  	v5 =	vand.u32 $0x7, v5;
	v6 =	vand.u32 $0xFFFFFFF0, v6  }
0x181: {  	v5 =	vor.u32 v5, v6  }
0x182: {  	v6 =	vperm.xlane v5, v2;
	_ =	sdelay $0x1  }
0x183: {  	v5 =	vperm.xlane v5, v4;
	v6 =	vadd.s32 v3, v6;
	_ =	sdelay $0x1  }
0x184: {  	v5 =	vadd.s32 v3, v5;
	_ =	sdelay $0x2  }
0x185: {  	[tilespmem:s18], [sflag:$0x1] =	stream.indirect_vreg.gather [hbm4b:s0+s4], $0x80, v6, vm0, $0xb8;
	[tilespmem:$0x8A80] =	vst v63  }
0x186: {  	_ = 	snop  }
0x187: {  	[tilespmem:s19], [sflag:$0x1] =	stream.indirect_vreg.gather [hbm4b:s0+s4], $0x80, v5, vm0, $0xb8;
	[tilespmem:$0x8A80] =	vst v63  }
0x188: {  	v5 =	vld [tilespmem:$0x1B0];
	_ =	sdelay $0x4  }
0x189: {  	v6 =	vshll.u32 v5, $0x1  }
0x18a: {  	v5 =	vand.u32 $0x7, v5;
	v6 =	vand.u32 $0xFFFFFFF0, v6  }
0x18b: {  	v5 =	vor.u32 v5, v6  }
0x18c: {  	v6 =	vperm.xlane v5, v2;
	_ =	sdelay $0x1  }
0x18d: {  	v5 =	vperm.xlane v5, v4;
	v6 =	vadd.s32 v3, v6;
	_ =	sdelay $0x1  }
0x18e: {  	v5 =	vadd.s32 v3, v5;
	_ =	sdelay $0x2  }
0x18f: {  	[tilespmem:s20], [sflag:$0x1] =	stream.indirect_vreg.gather [hbm4b:s0+s4], $0x80, v6, vm0, $0xb8;
	[tilespmem:$0x8A80] =	vst v63  }
0x190: {  	_ = 	snop  }
0x191: {  	[tilespmem:s21], [sflag:$0x1] =	stream.indirect_vreg.gather [hbm4b:s0+s4], $0x80, v5, vm0, $0xb8;
	[tilespmem:$0x8A80] =	vst v63  }
0x192: {  	v5 =	vld [tilespmem:$0x1C0];
	_ =	sdelay $0x4  }
0x193: {  	v6 =	vshll.u32 v5, $0x1  }
0x194: {  	v5 =	vand.u32 $0x7, v5;
	v6 =	vand.u32 $0xFFFFFFF0, v6  }
0x195: {  	v5 =	vor.u32 v5, v6  }
0x196: {  	v6 =	vperm.xlane v5, v2;
	_ =	sdelay $0x1  }
0x197: {  	v5 =	vperm.xlane v5, v4;
	v6 =	vadd.s32 v3, v6;
	_ =	sdelay $0x1  }
0x198: {  	v5 =	vadd.s32 v3, v5;
	_ =	sdelay $0x2  }
0x199: {  	[tilespmem:s22], [sflag:$0x1] =	stream.indirect_vreg.gather [hbm4b:s0+s4], $0x80, v6, vm0, $0xb8;
	[tilespmem:$0x8A80] =	vst v63  }
0x19a: {  	_ = 	snop  }
0x19b: {  	[tilespmem:s23], [sflag:$0x1] =	stream.indirect_vreg.gather [hbm4b:s0+s4], $0x80, v5, vm0, $0xb8;
	[tilespmem:$0x8A80] =	vst v63  }
0x19c: {  	v5 =	vld [tilespmem:$0x1D0];
	_ =	sdelay $0x4  }
0x19d: {  	v6 =	vshll.u32 v5, $0x1  }
0x19e: {  	v5 =	vand.u32 $0x7, v5;
	v6 =	vand.u32 $0xFFFFFFF0, v6  }
0x19f: {  	v5 =	vor.u32 v5, v6  }
0x1a0: {  	v6 =	vperm.xlane v5, v2;
	_ =	sdelay $0x1  }
0x1a1: {  	v5 =	vperm.xlane v5, v4;
	v6 =	vadd.s32 v3, v6;
	_ =	sdelay $0x1  }
0x1a2: {  	v5 =	vadd.s32 v3, v5;
	_ =	sdelay $0x2  }
0x1a3: {  	[tilespmem:s24], [sflag:$0x1] =	stream.indirect_vreg.gather [hbm4b:s0+s4], $0x80, v6, vm0, $0xb8;
	[tilespmem:$0x8A80] =	vst v63  }
0x1a4: {  	_ = 	snop  }
0x1a5: {  	[tilespmem:s25], [sflag:$0x1] =	stream.indirect_vreg.gather [hbm4b:s0+s4], $0x80, v5, vm0, $0xb8;
	[tilespmem:$0x8A80] =	vst v63  }
0x1a6: {  	v5 =	vld [tilespmem:$0x1E0];
	_ =	sdelay $0x4  }
0x1a7: {  	v6 =	vshll.u32 v5, $0x1  }
0x1a8: {  	v5 =	vand.u32 $0x7, v5;
	v6 =	vand.u32 $0xFFFFFFF0, v6  }
0x1a9: {  	v5 =	vor.u32 v5, v6  }
0x1aa: {  	v6 =	vperm.xlane v5, v2;
	_ =	sdelay $0x1  }
0x1ab: {  	v5 =	vperm.xlane v5, v4;
	v6 =	vadd.s32 v3, v6;
	_ =	sdelay $0x1  }
0x1ac: {  	v5 =	vadd.s32 v3, v5;
	_ =	sdelay $0x2  }
0x1ad: {  	[tilespmem:s26], [sflag:$0x1] =	stream.indirect_vreg.gather [hbm4b:s0+s4], $0x80, v6, vm0, $0xb8;
	[tilespmem:$0x8A80] =	vst v63  }
0x1ae: {  	_ = 	snop  }
0x1af: {  	[tilespmem:s28], [sflag:$0x1] =	stream.indirect_vreg.gather [hbm4b:s0+s4], $0x80, v5, vm0, $0xb8;
	[tilespmem:$0x8A80] =	vst v63  }
0x1b0: {  	v5 =	vld [tilespmem:$0x1F0];
	_ =	sdelay $0x4  }
0x1b1: {  	v6 =	vshll.u32 v5, $0x1  }
0x1b2: {  	v5 =	vand.u32 $0x7, v5;
	v6 =	vand.u32 $0xFFFFFFF0, v6  }
0x1b3: {  	v5 =	vor.u32 v5, v6  }
0x1b4: {  	v6 =	vperm.xlane v5, v2;
	_ =	sdelay $0x1  }
0x1b5: {  	v5 =	vperm.xlane v5, v4;
	v6 =	vadd.s32 v3, v6;
	_ =	sdelay $0x1  }
0x1b6: {  	v5 =	vadd.s32 v3, v5;
	_ =	sdelay $0x2  }
0x1b7: {  	[tilespmem:s29], [sflag:$0x1] =	stream.indirect_vreg.gather [hbm4b:s0+s4], $0x80, v6, vm0, $0xb8;
	[tilespmem:$0x8A80] =	vst v63  }
0x1b8: {  	_ = 	snop  }
0x1b9: {  	[tilespmem:s30], [sflag:$0x1] =	stream.indirect_vreg.gather [hbm4b:s0+s4], $0x80, v5, vm0, $0xb8;
	[tilespmem:$0x8A80] =	vst v63  }
0x1ba: {  	_ =	swait.ge [sflag:s31], $0x8000  }
0x1bb: {  	[sflag:s31] =	ssyncset.done $0x0  }
0x1bc: {  	s15 =	rddreg [dreg:$0xd];
	[sflag:s31] =	ssyncadd.s32 $0xFFFF8000  }
0x1bd: {  	[hbm4b:s15+s4] =	stream.linear.scatter [tilespmem:s14], [sflag:$0x3], $0x8000, $0x38;
	[tilespmem:$0x8A80] =	vst v63  }
0x1be: {  	_ =	swait.ge [sflag:s7], $0x8000  }
0x1bf: {  	[sflag:s7] =	ssyncset.done $0x0  }
0x1c0: {  	[sflag:s7] =	ssyncadd.s32 $0xFFFF8000  }
0x1c1: {  	_ =	swait.ge [sflag:s2], $0x80  }
0x1c2: {  	[sflag:s2] =	ssyncset.done $0x0  }
0x1c3: {  	[sflag:s2] =	ssyncadd.s32 $0xFFFFFF80  }
0x1c4: {  	_ =	swait.ge [sflag:s2], $0x80  }
0x1c5: {  	[sflag:s2] =	ssyncset.done $0x0  }
0x1c6: {  	[sflag:s2] =	ssyncadd.s32 $0xFFFFFF80  }
0x1c7: {  	_ =	swait.ge [sflag:s2], $0x80  }
0x1c8: {  	[sflag:s2] =	ssyncset.done $0x0  }
0x1c9: {  	[sflag:s2] =	ssyncadd.s32 $0xFFFFFF80  }
0x1ca: {  	_ =	swait.ge [sflag:s2], $0x80  }
0x1cb: {  	[sflag:s2] =	ssyncset.done $0x0  }
0x1cc: {  	[sflag:s2] =	ssyncadd.s32 $0xFFFFFF80  }
0x1cd: {  	_ =	swait.ge [sflag:s2], $0x80  }
0x1ce: {  	[sflag:s2] =	ssyncset.done $0x0  }
0x1cf: {  	[sflag:s2] =	ssyncadd.s32 $0xFFFFFF80  }
0x1d0: {  	_ =	swait.ge [sflag:s2], $0x80  }
0x1d1: {  	[sflag:s2] =	ssyncset.done $0x0  }
0x1d2: {  	[sflag:s2] =	ssyncadd.s32 $0xFFFFFF80  }
0x1d3: {  	_ =	swait.ge [sflag:s2], $0x80  }
0x1d4: {  	[sflag:s2] =	ssyncset.done $0x0  }
0x1d5: {  	[sflag:s2] =	ssyncadd.s32 $0xFFFFFF80  }
0x1d6: {  	_ =	swait.ge [sflag:s2], $0x80  }
0x1d7: {  	[sflag:s2] =	ssyncset.done $0x0  }
0x1d8: {  	s9 =	sshrl.u32 @!p0 s1, $0x3;
	[sflag:s2] =	ssyncadd.s32 $0xFFFFFF80  }
0x1d9: {  	s5 =	simm.s32 @!p0 $0x10;
	s11 =	simm.s32 @!p0 $0x1C03;
	[bflag:$0x0] =	sbarrier.arrive $0xFFFF  }
0x1da: {  	s12 =	simm.s32 @!p0 $0x1;
	s13 =	simm.s32 @!p0 $0x20;
	s8 =	rddreg [dreg:$0xe]  }
0x1db: {  	[hbm:s8@s13], [sflag:s11] =	dma.strided @!p0 [spmem:s9@s5], $0x400, s12, $0x10   }
0x1dc: {  	s8 =	simm.s32 @!p0 $0x3  }
0x1dd: {  	s6 =	sadd.s32 $0xFFFFFFFF, s6;
	_ =	swait.ge @!p0 [sflag:s8], $0x400  }
0x1de: {  	p1 =	sne.s32 s6, $0x0;
	s15 =	sshrl.u32 @!p0 s3, $0x3;
	[sflag:s8] =	ssyncset.done @!p0 $0x0  }
.Ltmp0:
0x1df: {  	s9 =	rddreg [dreg:$0xf];
	[sflag:s8] =	ssyncadd.s32 @!p0 $0xFFFFFC00;
	(pc) =	sbr.rel @p1 .LBB2_1-.Ltmp0, $4  }
0x1e0: {  	[hbm:s9@s13], [sflag:s11] =	dma.strided @!p0 [spmem:s15@s5], $0x400, s12, $0x10   }
0x1e1: {  	_ =	swait.ge @!p0 [sflag:s8], $0x400  }
0x1e2: {  	[sflag:s8] =	ssyncset.done @!p0 $0x0  }
0x1e3: {  	[sflag:s8] =	ssyncadd.s32 @!p0 $0xFFFFFC00  }
0x1e4: {  	_ =	sfence.sel $0x180000  }
0x1e5: {  	[bflag:$0x0] =	sbarrier.arrive $0xFFFF  }
0x1e6: {  	_ =	strace $0x90000047  }
0x1e7: {  	[bflag:$0x2] =	sbarrier.arrive $0xFFFF  }
0x1e8: {  	s0 =	rddreg [dreg:$0x6]  }
0x1e9: {  	s0 =	sadd.s32 @!p0 $0x100000, s0  }
0x1ea: {  	[sflag:s0] =	ssyncadd.tile.s32 @!p0 $0x1;
	_ =	shalt  }
.Lfunc_end2:
_tile_overlayer_lowered:
.L_overlay_start_2:
0x1eb: {  	(tag) =	ssettag $0x2  }
0x1ec: {  	s0 =	rddreg [dreg:$0x0];
	s2 =	stileid.u32  }
0x1ed: {  	s1 =	rddreg [dreg:$0x1];
	p0 =	sne.s32 s2, $0x0  }
0x1ee: {  	s3 =	rddreg [dreg:$0x2];
	[bflag:$0x3] =	sbarrier.arrive $0xFFFF;
	s2 =	simm.s32 @!p0 $0x1C03  }
0x1ef: {  	[timem:s3], [sflag:s2] =	dma.local @!p0 [hbm:s0], s1  }
0x1f0: {  	s0 =	simm.s32 @!p0 $0x3  }
0x1f1: {  	_ =	swait.ge @!p0 [sflag:s0], s1  }
0x1f2: {  	s1 =	ssub.s32 @!p0 $0x0, s1;
	[sflag:s0] =	ssyncset.done @!p0 $0x0  }
0x1f3: {  	[sflag:s0] =	ssyncadd.s32 @!p0 s1  }
0x1f4: {  	[bflag:$0x3] =	sbarrier.arrive $0xFFFF  }
0x1f5: {  	_ =	shalt  }

</sc_bundles>
